<compile_context>
chip_gen: v7x
topology: tpu7x:2x2x1
jax: 0.10.2.dev20260603
libtpu: 0.0.44.dev20260713+nightly
codegen_flags: <defaults>
</compile_context>

<pallas_src>
import functools

import jax
import jax.numpy as jnp
from jax import lax
from jax.experimental import pallas as pl
from jax.experimental.pallas import tpu as pltpu
from jax.experimental.pallas import tpu_sc as plsc

N_NODES = 10000
N_PAD = 10240
DIM = 128
N_EDGES = 320000

NC = 2
NS = 16
NW = NC * NS

GPW = 79
EPW = GPW * 128
E_PAD = NW * EPW

ROWS_PER_TILE = N_PAD // NS


def _spmm_sc(src3d, dst3d, w3d, h):
    mesh = plsc.VectorSubcoreMesh(core_axis_name="c", subcore_axis_name="s")

    @functools.partial(
        pl.kernel,
        mesh=mesh,
        compiler_params=pltpu.CompilerParams(needs_layout_passes=False),
        out_type=jax.ShapeDtypeStruct((NC, N_PAD, DIM), jnp.float32),
        scratch_types=[
            pltpu.VMEM((GPW, 128), jnp.int32),
            pltpu.VMEM((GPW, 128), jnp.int32),
            pltpu.VMEM((GPW, 128), jnp.float32),
            pltpu.VMEM((128, DIM), jnp.float32),
            pltpu.VMEM_SHARED((N_PAD, DIM), jnp.float32),
            pltpu.SemaphoreType.DMA,
        ],
    )
    def spmm(src_hbm, dst_hbm, w_hbm, h_hbm, out_hbm,
             src_v, dst_v, w_v, rows_v, acc_sh, sem):
        c = lax.axis_index("c")
        s = lax.axis_index("s")
        wid = s * NC + c
        zvec = jnp.zeros((16,), jnp.float32)

        def zbody(r, _):
            for k in range(8):
                rows_v[r, pl.ds(k * 16, 16)] = zvec
            return 0
        lax.fori_loop(0, 128, zbody, 0)
        rbase = s * ROWS_PER_TILE
        for j in range(5):
            pltpu.sync_copy(rows_v, acc_sh.at[pl.ds(rbase + j * 128, 128)])
        plsc.subcore_barrier()

        pltpu.sync_copy(src_hbm.at[wid], src_v)
        pltpu.sync_copy(dst_hbm.at[wid], dst_v)
        pltpu.sync_copy(w_hbm.at[wid], w_v)

        def body(t, _):
            pltpu.async_copy(h_hbm.at[src_v.at[t]], rows_v, sem).wait()

            def rbody(r, _):
                wvec = plsc.load_gather(
                    w_v, [jnp.full((16,), t, jnp.int32),
                          jnp.full((16,), r, jnp.int32)])
                for k in range(8):
                    sl = pl.ds(k * 16, 16)
                    rows_v[r, sl] = rows_v[r, sl] * wvec
                return 0
            lax.fori_loop(0, 128, rbody, 0)

            pltpu.sync_copy(rows_v, acc_sh.at[dst_v.at[t]], add=True)
            return 0
        lax.fori_loop(0, GPW, body, 0)

        plsc.subcore_barrier()
        pltpu.sync_copy(acc_sh.at[pl.ds(rbase, ROWS_PER_TILE)],
                        out_hbm.at[c, pl.ds(rbase, ROWS_PER_TILE)])

    return spmm(src3d, dst3d, w3d, h)


_BLK = 1024


def _mm_bias(x, W, b):
    def body(x_ref, w_ref, b_ref, o_ref):
        o_ref[...] = (jnp.dot(x_ref[...], w_ref[...],
                              preferred_element_type=jnp.float32)
                      + b_ref[...])
    return pl.pallas_call(
        body,
        grid=(N_PAD // _BLK,),
        in_specs=[pl.BlockSpec((_BLK, DIM), lambda i: (i, 0)),
                  pl.BlockSpec((DIM, DIM), lambda i: (0, 0)),
                  pl.BlockSpec((1, DIM), lambda i: (0, 0))],
        out_specs=pl.BlockSpec((_BLK, DIM), lambda i: (i, 0)),
        out_shape=jax.ShapeDtypeStruct((N_PAD, DIM), jnp.float32),
    )(x, W, b.reshape(1, DIM))


def _add2(p):
    def body(p_ref, o_ref):
        o_ref[...] = p_ref[0] + p_ref[1]
    return pl.pallas_call(
        body,
        grid=(N_PAD // _BLK,),
        in_specs=[pl.BlockSpec((2, _BLK, DIM), lambda i: (0, i, 0))],
        out_specs=pl.BlockSpec((_BLK, DIM), lambda i: (i, 0)),
        out_shape=jax.ShapeDtypeStruct((N_PAD, DIM), jnp.float32),
    )(p)


def _final(p, W, b):
    def body(p_ref, w_ref, b_ref, o_ref):
        h = jnp.maximum(p_ref[0] + p_ref[1], 0.0)
        o_ref[...] = (jnp.dot(h, w_ref[...],
                              preferred_element_type=jnp.float32)
                      + b_ref[...])
    return pl.pallas_call(
        body,
        grid=(N_PAD // _BLK,),
        in_specs=[pl.BlockSpec((2, _BLK, DIM), lambda i: (0, i, 0)),
                  pl.BlockSpec((DIM, DIM), lambda i: (0, 0)),
                  pl.BlockSpec((1, DIM), lambda i: (0, 0))],
        out_specs=pl.BlockSpec((_BLK, DIM), lambda i: (i, 0)),
        out_shape=jax.ShapeDtypeStruct((N_PAD, DIM), jnp.float32),
    )(p, W, b.reshape(1, DIM))


def kernel(x, edge_index, edge_weight, W0, b0, W1, b1):
    pad = E_PAD - N_EDGES
    src = jnp.concatenate(
        [edge_index[0].astype(jnp.int32), jnp.zeros((pad,), jnp.int32)]
    ).reshape(NW, GPW, 128)
    dst = jnp.concatenate(
        [edge_index[1].astype(jnp.int32), jnp.zeros((pad,), jnp.int32)]
    ).reshape(NW, GPW, 128)
    w = jnp.concatenate(
        [edge_weight.astype(jnp.float32), jnp.zeros((pad,), jnp.float32)]
    ).reshape(NW, GPW, 128)

    x_p = jnp.pad(x, ((0, N_PAD - N_NODES), (0, 0)))
    h0 = _mm_bias(x_p, W0, b0)
    p1 = _spmm_sc(src, dst, w, h0)
    h1 = _add2(p1)
    p2 = _spmm_sc(src, dst, w, h1)
    out = _final(p2, W1, b1)
    return out[:N_NODES]

# --- scband reference (transcript-rebuilt; emitter-appended) ---
"""Pipeline reference for scband-gfnn-24550033064031 (READ-ONLY COPY).

The authoritative reference and input builder live on the scoring server;
editing this copy changes nothing except your own understanding.
"""

import jax, jax.numpy as jnp
import numpy as np

N_NODES = 10000
N_EDGES = 320000
IN_DIM = 128
HD_DIM = 128
OUT_DIM = 128


def setup_inputs(seed: int = 0) -> dict:
    key = jax.random.key(seed)
    k_x, k_src, k_dst, k_w, k_w0, k_b0, k_w1, k_b1 = jax.random.split(key, 8)
    x = jax.random.normal(k_x, (N_NODES, IN_DIM), dtype=jnp.float32)
    src = jax.random.randint(k_src, (N_EDGES,), 0, N_NODES, dtype=jnp.int64)
    dst = jax.random.randint(k_dst, (N_EDGES,), 0, N_NODES, dtype=jnp.int64)
    edge_index = jnp.stack([src, dst], axis=0)
    edge_weight = jax.random.uniform(k_w, (N_EDGES,), dtype=jnp.float32)
    # Linear layer parameters (PyTorch-style: y = x @ W.T + b); store transposed for matmul
    bound0 = 1.0 / np.sqrt(IN_DIM)
    W0 = jax.random.uniform(k_w0, (IN_DIM, HD_DIM), dtype=jnp.float32, minval=-bound0, maxval=bound0)
    b0 = jax.random.uniform(k_b0, (HD_DIM,), dtype=jnp.float32, minval=-bound0, maxval=bound0)
    bound1 = 1.0 / np.sqrt(HD_DIM)
    W1 = jax.random.uniform(k_w1, (HD_DIM, OUT_DIM), dtype=jnp.float32, minval=-bound1, maxval=bound1)
    b1 = jax.random.uniform(k_b1, (OUT_DIM,), dtype=jnp.float32, minval=-bound1, maxval=bound1)
    return {"x": x, "edge_index": edge_index, "edge_weight": edge_weight,
            "W0": W0, "b0": b0, "W1": W1, "b1": b1}


def _spmm(edge_index, edge_weight, h):
    # sparse [N, N] @ dense [N, d]: out[dst] += w * h[src]
    src = edge_index[0]
    dst = edge_index[1]
    msgs = edge_weight[:, None] * jnp.take(h, src, axis=0)
    return jax.ops.segment_sum(msgs, dst, num_segments=N_NODES)


def reference(x, edge_index, edge_weight, W0, b0, W1, b1):
    # eval mode: dropout is identity
    h = x @ W0 + b0                      # li0
    h = _spmm(edge_index, edge_weight, h)  # adj @ h
    h = _spmm(edge_index, edge_weight, h)  # adj @ (adj @ h)
    out = jax.nn.relu(h) @ W1 + b1       # li1(relu(.))
    return out

if __name__ == "__main__":
    import jax
    _d = setup_inputs()
    print(jax.jit(kernel)(*tuple(_d.values())))

</pallas_src>

<mosaic_0001>
#map = affine_map<(d0, d1) -> (0, 0, 0)>
#map1 = affine_map<(d0, d1) -> (0, 0)>
module attributes {stable_mosaic.version = 14 : i64} {
  func.func @spmm(%arg0: i32, %arg1: i32, %arg2: memref<32x79x128xi32, #tpu.memory_space<hbm>>, %arg3: memref<32x79x128xi32, #tpu.memory_space<hbm>>, %arg4: memref<32x79x128xf32, #tpu.memory_space<hbm>>, %arg5: memref<10240x128xf32, #tpu.memory_space<hbm>>, %arg6: memref<2x10240x128xf32, #tpu.memory_space<hbm>>, %arg7: memref<79x128xi32, #tpu.memory_space<vmem>>, %arg8: memref<79x128xi32, #tpu.memory_space<vmem>>, %arg9: memref<79x128xf32, #tpu.memory_space<vmem>>, %arg10: memref<128x128xf32, #tpu.memory_space<vmem>>, %arg11: memref<10240x128xf32, #tpu.memory_space<vmem_shared>>, %arg12: memref<!tpu.dma_semaphore, #tpu.memory_space<semaphore_mem>>) attributes {dimension_semantics = [#tpu.dimension_semantics<core_parallel>, #tpu.dimension_semantics<subcore_parallel>], iteration_bounds = array<i64: 2, 16>, scalar_prefetch = 0 : i64, scratch_operands = 6 : i64, tpu.core_type = #tpu.core_type<sc_vector_subcore>, window_params = [{transform_indices = #map}, {transform_indices = #map}, {transform_indices = #map}, {transform_indices = #map1}, {transform_indices = #map}]} {
    %mul3A = arith.constant 2 : i32
    %mul3A_0 = arith.muli %arg1, %mul3A : i32
    %add3A = arith.addi %mul3A_0, %arg0 : i32
    %broadcast_in_dim3A = arith.constant 0.000000e+00 : f32
    %broadcast_in_dim3A_1 = vector.broadcast %broadcast_in_dim3A : f32 to vector<16xf32>
    %scan3A = arith.constant 0 : i32
    %scan3A_2 = arith.constant 0 : i32
    %scan3A_3 = arith.constant 128 : i32
    %scan3A_4 = arith.addi %scan3A_2, %scan3A_3 : i32
    %scan3A_5 = arith.constant 1 : i32
    %scan3A_6 = scf.for %scan3A_28 = %scan3A_2 to %scan3A_4 step %scan3A_5 iter_args(%scan3A_29 = %scan3A) -> (i32)  : i32 {
      %swap3A = arith.index_cast %scan3A_28 : i32 to index
      %swap3A_30 = arith.constant 0 : index
      %swap3A_31 = tpu.vector_load %arg10[%swap3A, %swap3A_30] {strides = array<i32>} : memref<128x128xf32, #tpu.memory_space<vmem>>, vector<16xf32>,
      tpu.vector_store %arg10[%swap3A, %swap3A_30], %broadcast_in_dim3A_1 {strides = array<i32>} : memref<128x128xf32, #tpu.memory_space<vmem>>, vector<16xf32>,
      %swap3A_32 = arith.index_cast %scan3A_28 : i32 to index
      %swap3A_33 = arith.constant 16 : index
      %swap3A_34 = tpu.vector_load %arg10[%swap3A_32, %swap3A_33] {strides = array<i32>} : memref<128x128xf32, #tpu.memory_space<vmem>>, vector<16xf32>,
      tpu.vector_store %arg10[%swap3A_32, %swap3A_33], %broadcast_in_dim3A_1 {strides = array<i32>} : memref<128x128xf32, #tpu.memory_space<vmem>>, vector<16xf32>,
      %swap3A_35 = arith.index_cast %scan3A_28 : i32 to index
      %swap3A_36 = arith.constant 32 : index
      %swap3A_37 = tpu.vector_load %arg10[%swap3A_35, %swap3A_36] {strides = array<i32>} : memref<128x128xf32, #tpu.memory_space<vmem>>, vector<16xf32>,
      tpu.vector_store %arg10[%swap3A_35, %swap3A_36], %broadcast_in_dim3A_1 {strides = array<i32>} : memref<128x128xf32, #tpu.memory_space<vmem>>, vector<16xf32>,
      %swap3A_38 = arith.index_cast %scan3A_28 : i32 to index
      %swap3A_39 = arith.constant 48 : index
      %swap3A_40 = tpu.vector_load %arg10[%swap3A_38, %swap3A_39] {strides = array<i32>} : memref<128x128xf32, #tpu.memory_space<vmem>>, vector<16xf32>,
      tpu.vector_store %arg10[%swap3A_38, %swap3A_39], %broadcast_in_dim3A_1 {strides = array<i32>} : memref<128x128xf32, #tpu.memory_space<vmem>>, vector<16xf32>,
      %swap3A_41 = arith.index_cast %scan3A_28 : i32 to index
      %swap3A_42 = arith.constant 64 : index
      %swap3A_43 = tpu.vector_load %arg10[%swap3A_41, %swap3A_42] {strides = array<i32>} : memref<128x128xf32, #tpu.memory_space<vmem>>, vector<16xf32>,
      tpu.vector_store %arg10[%swap3A_41, %swap3A_42], %broadcast_in_dim3A_1 {strides = array<i32>} : memref<128x128xf32, #tpu.memory_space<vmem>>, vector<16xf32>,
      %swap3A_44 = arith.index_cast %scan3A_28 : i32 to index
      %swap3A_45 = arith.constant 80 : index
      %swap3A_46 = tpu.vector_load %arg10[%swap3A_44, %swap3A_45] {strides = array<i32>} : memref<128x128xf32, #tpu.memory_space<vmem>>, vector<16xf32>,
      tpu.vector_store %arg10[%swap3A_44, %swap3A_45], %broadcast_in_dim3A_1 {strides = array<i32>} : memref<128x128xf32, #tpu.memory_space<vmem>>, vector<16xf32>,
      %swap3A_47 = arith.index_cast %scan3A_28 : i32 to index
      %swap3A_48 = arith.constant 96 : index
      %swap3A_49 = tpu.vector_load %arg10[%swap3A_47, %swap3A_48] {strides = array<i32>} : memref<128x128xf32, #tpu.memory_space<vmem>>, vector<16xf32>,
      tpu.vector_store %arg10[%swap3A_47, %swap3A_48], %broadcast_in_dim3A_1 {strides = array<i32>} : memref<128x128xf32, #tpu.memory_space<vmem>>, vector<16xf32>,
      %swap3A_50 = arith.index_cast %scan3A_28 : i32 to index
      %swap3A_51 = arith.constant 112 : index
      %swap3A_52 = tpu.vector_load %arg10[%swap3A_50, %swap3A_51] {strides = array<i32>} : memref<128x128xf32, #tpu.memory_space<vmem>>, vector<16xf32>,
      tpu.vector_store %arg10[%swap3A_50, %swap3A_51], %broadcast_in_dim3A_1 {strides = array<i32>} : memref<128x128xf32, #tpu.memory_space<vmem>>, vector<16xf32>,
      %scan3A_53 = arith.constant 0 : i32
      scf.yield %scan3A_53 : i32
    }
    %scan3A_7 = arith.constant 128 : i32
    %mul3A_8 = arith.constant 640 : i32
    %mul3A_9 = arith.muli %arg1, %mul3A_8 : i32
    %add3A_10 = arith.constant 0 : i32
    %add3A_11 = arith.addi %mul3A_9, %add3A_10 : i32
    "tpu.region"() ({
      %run_scoped3A = tpu.sem_alloc : memref<!tpu.dma_semaphore, #tpu.memory_space<semaphore_mem>>
      %dma_start3A = arith.constant 0 : i32
      %dma_start3A_28 = tpu.memref_slice %arg11[%add3A_11, %dma_start3A] : memref<10240x128xf32, #tpu.memory_space<vmem_shared>> -> memref<128x128xf32, #tpu.memory_space<vmem_shared>>
      %dma_start3A_29 = arith.constant 0 : i32
      %dma_start3A_30 = tpu.memref_slice %arg11[%add3A_11, %dma_start3A_29] : memref<10240x128xf32, #tpu.memory_space<vmem_shared>> -> memref<128x128xf32, #tpu.memory_space<vmem_shared>>
      tpu.enqueue_dma source(%arg10 : memref<128x128xf32, #tpu.memory_space<vmem>>) target(%dma_start3A_30 : memref<128x128xf32, #tpu.memory_space<vmem_shared>>) target_semaphore(%run_scoped3A : memref<!tpu.dma_semaphore, #tpu.memory_space<semaphore_mem>>)
      %dma_wait3A = arith.constant 0 : i32
      %dma_wait3A_31 = tpu.memref_slice %arg11[%add3A_11, %dma_wait3A] : memref<10240x128xf32, #tpu.memory_space<vmem_shared>> -> memref<128x128xf32, #tpu.memory_space<vmem_shared>>
      %dma_wait3A_32 = arith.constant 0 : i32
      %dma_wait3A_33 = tpu.memref_slice %arg11[%add3A_11, %dma_wait3A_32] : memref<10240x128xf32, #tpu.memory_space<vmem_shared>> -> memref<128x128xf32, #tpu.memory_space<vmem_shared>>
      tpu.wait_dma2 semaphore(%run_scoped3A : memref<!tpu.dma_semaphore, #tpu.memory_space<semaphore_mem>>) src(%arg10 : memref<128x128xf32, #tpu.memory_space<vmem>>) dst(%dma_wait3A_33 : memref<128x128xf32, #tpu.memory_space<vmem_shared>>)
      tpu.yield
    }) : () -> ()
    %add3A_12 = arith.constant 128 : i32
    %add3A_13 = arith.addi %mul3A_9, %add3A_12 : i32
    "tpu.region"() ({
      %run_scoped3A = tpu.sem_alloc : memref<!tpu.dma_semaphore, #tpu.memory_space<semaphore_mem>>
      %dma_start3A = arith.constant 0 : i32
      %dma_start3A_28 = tpu.memref_slice %arg11[%add3A_13, %dma_start3A] : memref<10240x128xf32, #tpu.memory_space<vmem_shared>> -> memref<128x128xf32, #tpu.memory_space<vmem_shared>>
      %dma_start3A_29 = arith.constant 0 : i32
      %dma_start3A_30 = tpu.memref_slice %arg11[%add3A_13, %dma_start3A_29] : memref<10240x128xf32, #tpu.memory_space<vmem_shared>> -> memref<128x128xf32, #tpu.memory_space<vmem_shared>>
      tpu.enqueue_dma source(%arg10 : memref<128x128xf32, #tpu.memory_space<vmem>>) target(%dma_start3A_30 : memref<128x128xf32, #tpu.memory_space<vmem_shared>>) target_semaphore(%run_scoped3A : memref<!tpu.dma_semaphore, #tpu.memory_space<semaphore_mem>>)
      %dma_wait3A = arith.constant 0 : i32
      %dma_wait3A_31 = tpu.memref_slice %arg11[%add3A_13, %dma_wait3A] : memref<10240x128xf32, #tpu.memory_space<vmem_shared>> -> memref<128x128xf32, #tpu.memory_space<vmem_shared>>
      %dma_wait3A_32 = arith.constant 0 : i32
      %dma_wait3A_33 = tpu.memref_slice %arg11[%add3A_13, %dma_wait3A_32] : memref<10240x128xf32, #tpu.memory_space<vmem_shared>> -> memref<128x128xf32, #tpu.memory_space<vmem_shared>>
      tpu.wait_dma2 semaphore(%run_scoped3A : memref<!tpu.dma_semaphore, #tpu.memory_space<semaphore_mem>>) src(%arg10 : memref<128x128xf32, #tpu.memory_space<vmem>>) dst(%dma_wait3A_33 : memref<128x128xf32, #tpu.memory_space<vmem_shared>>)
      tpu.yield
    }) : () -> ()
    %add3A_14 = arith.constant 256 : i32
    %add3A_15 = arith.addi %mul3A_9, %add3A_14 : i32
    "tpu.region"() ({
      %run_scoped3A = tpu.sem_alloc : memref<!tpu.dma_semaphore, #tpu.memory_space<semaphore_mem>>
      %dma_start3A = arith.constant 0 : i32
      %dma_start3A_28 = tpu.memref_slice %arg11[%add3A_15, %dma_start3A] : memref<10240x128xf32, #tpu.memory_space<vmem_shared>> -> memref<128x128xf32, #tpu.memory_space<vmem_shared>>
      %dma_start3A_29 = arith.constant 0 : i32
      %dma_start3A_30 = tpu.memref_slice %arg11[%add3A_15, %dma_start3A_29] : memref<10240x128xf32, #tpu.memory_space<vmem_shared>> -> memref<128x128xf32, #tpu.memory_space<vmem_shared>>
      tpu.enqueue_dma source(%arg10 : memref<128x128xf32, #tpu.memory_space<vmem>>) target(%dma_start3A_30 : memref<128x128xf32, #tpu.memory_space<vmem_shared>>) target_semaphore(%run_scoped3A : memref<!tpu.dma_semaphore, #tpu.memory_space<semaphore_mem>>)
      %dma_wait3A = arith.constant 0 : i32
      %dma_wait3A_31 = tpu.memref_slice %arg11[%add3A_15, %dma_wait3A] : memref<10240x128xf32, #tpu.memory_space<vmem_shared>> -> memref<128x128xf32, #tpu.memory_space<vmem_shared>>
      %dma_wait3A_32 = arith.constant 0 : i32
      %dma_wait3A_33 = tpu.memref_slice %arg11[%add3A_15, %dma_wait3A_32] : memref<10240x128xf32, #tpu.memory_space<vmem_shared>> -> memref<128x128xf32, #tpu.memory_space<vmem_shared>>
      tpu.wait_dma2 semaphore(%run_scoped3A : memref<!tpu.dma_semaphore, #tpu.memory_space<semaphore_mem>>) src(%arg10 : memref<128x128xf32, #tpu.memory_space<vmem>>) dst(%dma_wait3A_33 : memref<128x128xf32, #tpu.memory_space<vmem_shared>>)
      tpu.yield
    }) : () -> ()
    %add3A_16 = arith.constant 384 : i32
    %add3A_17 = arith.addi %mul3A_9, %add3A_16 : i32
    "tpu.region"() ({
      %run_scoped3A = tpu.sem_alloc : memref<!tpu.dma_semaphore, #tpu.memory_space<semaphore_mem>>
      %dma_start3A = arith.constant 0 : i32
      %dma_start3A_28 = tpu.memref_slice %arg11[%add3A_17, %dma_start3A] : memref<10240x128xf32, #tpu.memory_space<vmem_shared>> -> memref<128x128xf32, #tpu.memory_space<vmem_shared>>
      %dma_start3A_29 = arith.constant 0 : i32
      %dma_start3A_30 = tpu.memref_slice %arg11[%add3A_17, %dma_start3A_29] : memref<10240x128xf32, #tpu.memory_space<vmem_shared>> -> memref<128x128xf32, #tpu.memory_space<vmem_shared>>
      tpu.enqueue_dma source(%arg10 : memref<128x128xf32, #tpu.memory_space<vmem>>) target(%dma_start3A_30 : memref<128x128xf32, #tpu.memory_space<vmem_shared>>) target_semaphore(%run_scoped3A : memref<!tpu.dma_semaphore, #tpu.memory_space<semaphore_mem>>)
      %dma_wait3A = arith.constant 0 : i32
      %dma_wait3A_31 = tpu.memref_slice %arg11[%add3A_17, %dma_wait3A] : memref<10240x128xf32, #tpu.memory_space<vmem_shared>> -> memref<128x128xf32, #tpu.memory_space<vmem_shared>>
      %dma_wait3A_32 = arith.constant 0 : i32
      %dma_wait3A_33 = tpu.memref_slice %arg11[%add3A_17, %dma_wait3A_32] : memref<10240x128xf32, #tpu.memory_space<vmem_shared>> -> memref<128x128xf32, #tpu.memory_space<vmem_shared>>
      tpu.wait_dma2 semaphore(%run_scoped3A : memref<!tpu.dma_semaphore, #tpu.memory_space<semaphore_mem>>) src(%arg10 : memref<128x128xf32, #tpu.memory_space<vmem>>) dst(%dma_wait3A_33 : memref<128x128xf32, #tpu.memory_space<vmem_shared>>)
      tpu.yield
    }) : () -> ()
    %add3A_18 = arith.constant 512 : i32
    %add3A_19 = arith.addi %mul3A_9, %add3A_18 : i32
    "tpu.region"() ({
      %run_scoped3A = tpu.sem_alloc : memref<!tpu.dma_semaphore, #tpu.memory_space<semaphore_mem>>
      %dma_start3A = arith.constant 0 : i32
      %dma_start3A_28 = tpu.memref_slice %arg11[%add3A_19, %dma_start3A] : memref<10240x128xf32, #tpu.memory_space<vmem_shared>> -> memref<128x128xf32, #tpu.memory_space<vmem_shared>>
      %dma_start3A_29 = arith.constant 0 : i32
      %dma_start3A_30 = tpu.memref_slice %arg11[%add3A_19, %dma_start3A_29] : memref<10240x128xf32, #tpu.memory_space<vmem_shared>> -> memref<128x128xf32, #tpu.memory_space<vmem_shared>>
      tpu.enqueue_dma source(%arg10 : memref<128x128xf32, #tpu.memory_space<vmem>>) target(%dma_start3A_30 : memref<128x128xf32, #tpu.memory_space<vmem_shared>>) target_semaphore(%run_scoped3A : memref<!tpu.dma_semaphore, #tpu.memory_space<semaphore_mem>>)
      %dma_wait3A = arith.constant 0 : i32
      %dma_wait3A_31 = tpu.memref_slice %arg11[%add3A_19, %dma_wait3A] : memref<10240x128xf32, #tpu.memory_space<vmem_shared>> -> memref<128x128xf32, #tpu.memory_space<vmem_shared>>
      %dma_wait3A_32 = arith.constant 0 : i32
      %dma_wait3A_33 = tpu.memref_slice %arg11[%add3A_19, %dma_wait3A_32] : memref<10240x128xf32, #tpu.memory_space<vmem_shared>> -> memref<128x128xf32, #tpu.memory_space<vmem_shared>>
      tpu.wait_dma2 semaphore(%run_scoped3A : memref<!tpu.dma_semaphore, #tpu.memory_space<semaphore_mem>>) src(%arg10 : memref<128x128xf32, #tpu.memory_space<vmem>>) dst(%dma_wait3A_33 : memref<128x128xf32, #tpu.memory_space<vmem_shared>>)
      tpu.yield
    }) : () -> ()
    %barrier3A = arith.constant 0 : index
    tpu.barrier barrier_id(%barrier3A)
    "tpu.region"() ({
      %run_scoped3A = tpu.sem_alloc : memref<!tpu.dma_semaphore, #tpu.memory_space<semaphore_mem>>
      %dma_start3A = arith.constant 0 : i32
      %dma_start3A_28 = arith.constant 0 : i32
      %dma_start3A_29 = tpu.memref_slice %arg2[%add3A, %dma_start3A, %dma_start3A_28] : memref<32x79x128xi32, #tpu.memory_space<hbm>> -> memref<1x79x128xi32, #tpu.memory_space<hbm>>
      %dma_start3A_30 = tpu.memref_squeeze %dma_start3A_29 : memref<1x79x128xi32, #tpu.memory_space<hbm>> -> memref<79x128xi32, #tpu.memory_space<hbm>>
      %dma_start3A_31 = arith.constant 0 : i32
      %dma_start3A_32 = arith.constant 0 : i32
      %dma_start3A_33 = tpu.memref_slice %arg2[%add3A, %dma_start3A_31, %dma_start3A_32] : memref<32x79x128xi32, #tpu.memory_space<hbm>> -> memref<1x79x128xi32, #tpu.memory_space<hbm>>
      %dma_start3A_34 = tpu.memref_squeeze %dma_start3A_33 : memref<1x79x128xi32, #tpu.memory_space<hbm>> -> memref<79x128xi32, #tpu.memory_space<hbm>>
      tpu.enqueue_dma source(%dma_start3A_34 : memref<79x128xi32, #tpu.memory_space<hbm>>) target(%arg7 : memref<79x128xi32, #tpu.memory_space<vmem>>) target_semaphore(%run_scoped3A : memref<!tpu.dma_semaphore, #tpu.memory_space<semaphore_mem>>)
      %dma_wait3A = arith.constant 0 : i32
      %dma_wait3A_35 = arith.constant 0 : i32
      %dma_wait3A_36 = tpu.memref_slice %arg2[%add3A, %dma_wait3A, %dma_wait3A_35] : memref<32x79x128xi32, #tpu.memory_space<hbm>> -> memref<1x79x128xi32, #tpu.memory_space<hbm>>
      %dma_wait3A_37 = tpu.memref_squeeze %dma_wait3A_36 : memref<1x79x128xi32, #tpu.memory_space<hbm>> -> memref<79x128xi32, #tpu.memory_space<hbm>>
      %dma_wait3A_38 = arith.constant 0 : i32
      %dma_wait3A_39 = arith.constant 0 : i32
      %dma_wait3A_40 = tpu.memref_slice %arg2[%add3A, %dma_wait3A_38, %dma_wait3A_39] : memref<32x79x128xi32, #tpu.memory_space<hbm>> -> memref<1x79x128xi32, #tpu.memory_space<hbm>>
      %dma_wait3A_41 = tpu.memref_squeeze %dma_wait3A_40 : memref<1x79x128xi32, #tpu.memory_space<hbm>> -> memref<79x128xi32, #tpu.memory_space<hbm>>
      tpu.wait_dma2 semaphore(%run_scoped3A : memref<!tpu.dma_semaphore, #tpu.memory_space<semaphore_mem>>) src(%dma_wait3A_41 : memref<79x128xi32, #tpu.memory_space<hbm>>) dst(%arg7 : memref<79x128xi32, #tpu.memory_space<vmem>>)
      tpu.yield
    }) : () -> ()
    "tpu.region"() ({
      %run_scoped3A = tpu.sem_alloc : memref<!tpu.dma_semaphore, #tpu.memory_space<semaphore_mem>>
      %dma_start3A = arith.constant 0 : i32
      %dma_start3A_28 = arith.constant 0 : i32
      %dma_start3A_29 = tpu.memref_slice %arg3[%add3A, %dma_start3A, %dma_start3A_28] : memref<32x79x128xi32, #tpu.memory_space<hbm>> -> memref<1x79x128xi32, #tpu.memory_space<hbm>>
      %dma_start3A_30 = tpu.memref_squeeze %dma_start3A_29 : memref<1x79x128xi32, #tpu.memory_space<hbm>> -> memref<79x128xi32, #tpu.memory_space<hbm>>
      %dma_start3A_31 = arith.constant 0 : i32
      %dma_start3A_32 = arith.constant 0 : i32
      %dma_start3A_33 = tpu.memref_slice %arg3[%add3A, %dma_start3A_31, %dma_start3A_32] : memref<32x79x128xi32, #tpu.memory_space<hbm>> -> memref<1x79x128xi32, #tpu.memory_space<hbm>>
      %dma_start3A_34 = tpu.memref_squeeze %dma_start3A_33 : memref<1x79x128xi32, #tpu.memory_space<hbm>> -> memref<79x128xi32, #tpu.memory_space<hbm>>
      tpu.enqueue_dma source(%dma_start3A_34 : memref<79x128xi32, #tpu.memory_space<hbm>>) target(%arg8 : memref<79x128xi32, #tpu.memory_space<vmem>>) target_semaphore(%run_scoped3A : memref<!tpu.dma_semaphore, #tpu.memory_space<semaphore_mem>>)
      %dma_wait3A = arith.constant 0 : i32
      %dma_wait3A_35 = arith.constant 0 : i32
      %dma_wait3A_36 = tpu.memref_slice %arg3[%add3A, %dma_wait3A, %dma_wait3A_35] : memref<32x79x128xi32, #tpu.memory_space<hbm>> -> memref<1x79x128xi32, #tpu.memory_space<hbm>>
      %dma_wait3A_37 = tpu.memref_squeeze %dma_wait3A_36 : memref<1x79x128xi32, #tpu.memory_space<hbm>> -> memref<79x128xi32, #tpu.memory_space<hbm>>
      %dma_wait3A_38 = arith.constant 0 : i32
      %dma_wait3A_39 = arith.constant 0 : i32
      %dma_wait3A_40 = tpu.memref_slice %arg3[%add3A, %dma_wait3A_38, %dma_wait3A_39] : memref<32x79x128xi32, #tpu.memory_space<hbm>> -> memref<1x79x128xi32, #tpu.memory_space<hbm>>
      %dma_wait3A_41 = tpu.memref_squeeze %dma_wait3A_40 : memref<1x79x128xi32, #tpu.memory_space<hbm>> -> memref<79x128xi32, #tpu.memory_space<hbm>>
      tpu.wait_dma2 semaphore(%run_scoped3A : memref<!tpu.dma_semaphore, #tpu.memory_space<semaphore_mem>>) src(%dma_wait3A_41 : memref<79x128xi32, #tpu.memory_space<hbm>>) dst(%arg8 : memref<79x128xi32, #tpu.memory_space<vmem>>)
      tpu.yield
    }) : () -> ()
    "tpu.region"() ({
      %run_scoped3A = tpu.sem_alloc : memref<!tpu.dma_semaphore, #tpu.memory_space<semaphore_mem>>
      %dma_start3A = arith.constant 0 : i32
      %dma_start3A_28 = arith.constant 0 : i32
      %dma_start3A_29 = tpu.memref_slice %arg4[%add3A, %dma_start3A, %dma_start3A_28] : memref<32x79x128xf32, #tpu.memory_space<hbm>> -> memref<1x79x128xf32, #tpu.memory_space<hbm>>
      %dma_start3A_30 = tpu.memref_squeeze %dma_start3A_29 : memref<1x79x128xf32, #tpu.memory_space<hbm>> -> memref<79x128xf32, #tpu.memory_space<hbm>>
      %dma_start3A_31 = arith.constant 0 : i32
      %dma_start3A_32 = arith.constant 0 : i32
      %dma_start3A_33 = tpu.memref_slice %arg4[%add3A, %dma_start3A_31, %dma_start3A_32] : memref<32x79x128xf32, #tpu.memory_space<hbm>> -> memref<1x79x128xf32, #tpu.memory_space<hbm>>
      %dma_start3A_34 = tpu.memref_squeeze %dma_start3A_33 : memref<1x79x128xf32, #tpu.memory_space<hbm>> -> memref<79x128xf32, #tpu.memory_space<hbm>>
      tpu.enqueue_dma source(%dma_start3A_34 : memref<79x128xf32, #tpu.memory_space<hbm>>) target(%arg9 : memref<79x128xf32, #tpu.memory_space<vmem>>) target_semaphore(%run_scoped3A : memref<!tpu.dma_semaphore, #tpu.memory_space<semaphore_mem>>)
      %dma_wait3A = arith.constant 0 : i32
      %dma_wait3A_35 = arith.constant 0 : i32
      %dma_wait3A_36 = tpu.memref_slice %arg4[%add3A, %dma_wait3A, %dma_wait3A_35] : memref<32x79x128xf32, #tpu.memory_space<hbm>> -> memref<1x79x128xf32, #tpu.memory_space<hbm>>
      %dma_wait3A_37 = tpu.memref_squeeze %dma_wait3A_36 : memref<1x79x128xf32, #tpu.memory_space<hbm>> -> memref<79x128xf32, #tpu.memory_space<hbm>>
      %dma_wait3A_38 = arith.constant 0 : i32
      %dma_wait3A_39 = arith.constant 0 : i32
      %dma_wait3A_40 = tpu.memref_slice %arg4[%add3A, %dma_wait3A_38, %dma_wait3A_39] : memref<32x79x128xf32, #tpu.memory_space<hbm>> -> memref<1x79x128xf32, #tpu.memory_space<hbm>>
      %dma_wait3A_41 = tpu.memref_squeeze %dma_wait3A_40 : memref<1x79x128xf32, #tpu.memory_space<hbm>> -> memref<79x128xf32, #tpu.memory_space<hbm>>
      tpu.wait_dma2 semaphore(%run_scoped3A : memref<!tpu.dma_semaphore, #tpu.memory_space<semaphore_mem>>) src(%dma_wait3A_41 : memref<79x128xf32, #tpu.memory_space<hbm>>) dst(%arg9 : memref<79x128xf32, #tpu.memory_space<vmem>>)
      tpu.yield
    }) : () -> ()
    %scan3A_20 = arith.constant 0 : i32
    %scan3A_21 = arith.constant 0 : i32
    %scan3A_22 = arith.constant 79 : i32
    %scan3A_23 = arith.addi %scan3A_21, %scan3A_22 : i32
    %scan3A_24 = arith.constant 1 : i32
    %scan3A_25 = scf.for %scan3A_28 = %scan3A_21 to %scan3A_23 step %scan3A_24 iter_args(%scan3A_29 = %scan3A_20) -> (i32)  : i32 {
      %dma_start3A = arith.constant 0 : i32
      %dma_start3A_30 = tpu.memref_slice %arg7[%scan3A_28, %dma_start3A] : memref<79x128xi32, #tpu.memory_space<vmem>> -> memref<1x128xi32, #tpu.memory_space<vmem>>
      %dma_start3A_31 = tpu.memref_squeeze %dma_start3A_30 : memref<1x128xi32, #tpu.memory_space<vmem>> -> memref<128xi32, #tpu.memory_space<vmem>>
      %dma_start3A_32 = arith.constant 0 : i32
      %dma_start3A_33 = arith.constant 0 : i32
      %dma_start3A_34 = tpu.memref_slice %arg5[%dma_start3A_32, %dma_start3A_33] : memref<10240x128xf32, #tpu.memory_space<hbm>> -> memref<10240x128xf32, #tpu.memory_space<hbm>>
      tpu.enqueue_indirect_dma source(%dma_start3A_34 : memref<10240x128xf32, #tpu.memory_space<hbm>>) target(%arg10 : memref<128x128xf32, #tpu.memory_space<vmem>>) offsets(%dma_start3A_31 : memref<128xi32, #tpu.memory_space<vmem>>) semaphore(%arg12 : memref<!tpu.dma_semaphore, #tpu.memory_space<semaphore_mem>>)
      %dma_wait3A = arith.constant 0 : i32
      %dma_wait3A_35 = tpu.memref_slice %arg7[%scan3A_28, %dma_wait3A] : memref<79x128xi32, #tpu.memory_space<vmem>> -> memref<1x128xi32, #tpu.memory_space<vmem>>
      %dma_wait3A_36 = tpu.memref_squeeze %dma_wait3A_35 : memref<1x128xi32, #tpu.memory_space<vmem>> -> memref<128xi32, #tpu.memory_space<vmem>>
      %dma_wait3A_37 = arith.constant 0 : i32
      %dma_wait3A_38 = arith.constant 0 : i32
      %dma_wait3A_39 = tpu.memref_slice %arg5[%dma_wait3A_37, %dma_wait3A_38] : memref<10240x128xf32, #tpu.memory_space<hbm>> -> memref<10240x128xf32, #tpu.memory_space<hbm>>
      tpu.wait_indirect_dma semaphore(%arg12 : memref<!tpu.dma_semaphore, #tpu.memory_space<semaphore_mem>>) src(%dma_wait3A_39 : memref<10240x128xf32, #tpu.memory_space<hbm>>) dst(%arg10 : memref<128x128xf32, #tpu.memory_space<vmem>>)
      %scan3A_40 = arith.constant 0 : i32
      %scan3A_41 = arith.constant 0 : i32
      %scan3A_42 = arith.constant 128 : i32
      %scan3A_43 = arith.addi %scan3A_41, %scan3A_42 : i32
      %scan3A_44 = arith.constant 1 : i32
      %scan3A_45 = scf.for %scan3A_48 = %scan3A_41 to %scan3A_43 step %scan3A_44 iter_args(%scan3A_49 = %scan3A_40) -> (i32)  : i32 {
        %broadcast_in_dim3A_50 = vector.broadcast %scan3A_28 : i32 to vector<16xi32>
        %broadcast_in_dim3A_51 = vector.broadcast %scan3A_48 : i32 to vector<16xi32>
        %gather3A = tpu.vector_load_idx %arg9[%broadcast_in_dim3A_50, %broadcast_in_dim3A_51] : memref<79x128xf32, #tpu.memory_space<vmem>>[vector<16xi32>, vector<16xi32>], vector<16xf32>,
        %get3A = arith.index_cast %scan3A_48 : i32 to index
        %get3A_52 = arith.constant 0 : index
        %get3A_53 = tpu.vector_load %arg10[%get3A, %get3A_52] {strides = array<i32>} : memref<128x128xf32, #tpu.memory_space<vmem>>, vector<16xf32>,
        %mul3A_54 = arith.mulf %get3A_53, %gather3A : vector<16xf32>
        %swap3A = arith.index_cast %scan3A_48 : i32 to index
        %swap3A_55 = arith.constant 0 : index
        %swap3A_56 = tpu.vector_load %arg10[%swap3A, %swap3A_55] {strides = array<i32>} : memref<128x128xf32, #tpu.memory_space<vmem>>, vector<16xf32>,
        tpu.vector_store %arg10[%swap3A, %swap3A_55], %mul3A_54 {strides = array<i32>} : memref<128x128xf32, #tpu.memory_space<vmem>>, vector<16xf32>,
        %get3A_57 = arith.index_cast %scan3A_48 : i32 to index
        %get3A_58 = arith.constant 16 : index
        %get3A_59 = tpu.vector_load %arg10[%get3A_57, %get3A_58] {strides = array<i32>} : memref<128x128xf32, #tpu.memory_space<vmem>>, vector<16xf32>,
        %mul3A_60 = arith.mulf %get3A_59, %gather3A : vector<16xf32>
        %swap3A_61 = arith.index_cast %scan3A_48 : i32 to index
        %swap3A_62 = arith.constant 16 : index
        %swap3A_63 = tpu.vector_load %arg10[%swap3A_61, %swap3A_62] {strides = array<i32>} : memref<128x128xf32, #tpu.memory_space<vmem>>, vector<16xf32>,
        tpu.vector_store %arg10[%swap3A_61, %swap3A_62], %mul3A_60 {strides = array<i32>} : memref<128x128xf32, #tpu.memory_space<vmem>>, vector<16xf32>,
        %get3A_64 = arith.index_cast %scan3A_48 : i32 to index
        %get3A_65 = arith.constant 32 : index
        %get3A_66 = tpu.vector_load %arg10[%get3A_64, %get3A_65] {strides = array<i32>} : memref<128x128xf32, #tpu.memory_space<vmem>>, vector<16xf32>,
        %mul3A_67 = arith.mulf %get3A_66, %gather3A : vector<16xf32>
        %swap3A_68 = arith.index_cast %scan3A_48 : i32 to index
        %swap3A_69 = arith.constant 32 : index
        %swap3A_70 = tpu.vector_load %arg10[%swap3A_68, %swap3A_69] {strides = array<i32>} : memref<128x128xf32, #tpu.memory_space<vmem>>, vector<16xf32>,
        tpu.vector_store %arg10[%swap3A_68, %swap3A_69], %mul3A_67 {strides = array<i32>} : memref<128x128xf32, #tpu.memory_space<vmem>>, vector<16xf32>,
        %get3A_71 = arith.index_cast %scan3A_48 : i32 to index
        %get3A_72 = arith.constant 48 : index
        %get3A_73 = tpu.vector_load %arg10[%get3A_71, %get3A_72] {strides = array<i32>} : memref<128x128xf32, #tpu.memory_space<vmem>>, vector<16xf32>,
        %mul3A_74 = arith.mulf %get3A_73, %gather3A : vector<16xf32>
        %swap3A_75 = arith.index_cast %scan3A_48 : i32 to index
        %swap3A_76 = arith.constant 48 : index
        %swap3A_77 = tpu.vector_load %arg10[%swap3A_75, %swap3A_76] {strides = array<i32>} : memref<128x128xf32, #tpu.memory_space<vmem>>, vector<16xf32>,
        tpu.vector_store %arg10[%swap3A_75, %swap3A_76], %mul3A_74 {strides = array<i32>} : memref<128x128xf32, #tpu.memory_space<vmem>>, vector<16xf32>,
        %get3A_78 = arith.index_cast %scan3A_48 : i32 to index
        %get3A_79 = arith.constant 64 : index
        %get3A_80 = tpu.vector_load %arg10[%get3A_78, %get3A_79] {strides = array<i32>} : memref<128x128xf32, #tpu.memory_space<vmem>>, vector<16xf32>,
        %mul3A_81 = arith.mulf %get3A_80, %gather3A : vector<16xf32>
        %swap3A_82 = arith.index_cast %scan3A_48 : i32 to index
        %swap3A_83 = arith.constant 64 : index
        %swap3A_84 = tpu.vector_load %arg10[%swap3A_82, %swap3A_83] {strides = array<i32>} : memref<128x128xf32, #tpu.memory_space<vmem>>, vector<16xf32>,
        tpu.vector_store %arg10[%swap3A_82, %swap3A_83], %mul3A_81 {strides = array<i32>} : memref<128x128xf32, #tpu.memory_space<vmem>>, vector<16xf32>,
        %get3A_85 = arith.index_cast %scan3A_48 : i32 to index
        %get3A_86 = arith.constant 80 : index
        %get3A_87 = tpu.vector_load %arg10[%get3A_85, %get3A_86] {strides = array<i32>} : memref<128x128xf32, #tpu.memory_space<vmem>>, vector<16xf32>,
        %mul3A_88 = arith.mulf %get3A_87, %gather3A : vector<16xf32>
        %swap3A_89 = arith.index_cast %scan3A_48 : i32 to index
        %swap3A_90 = arith.constant 80 : index
        %swap3A_91 = tpu.vector_load %arg10[%swap3A_89, %swap3A_90] {strides = array<i32>} : memref<128x128xf32, #tpu.memory_space<vmem>>, vector<16xf32>,
        tpu.vector_store %arg10[%swap3A_89, %swap3A_90], %mul3A_88 {strides = array<i32>} : memref<128x128xf32, #tpu.memory_space<vmem>>, vector<16xf32>,
        %get3A_92 = arith.index_cast %scan3A_48 : i32 to index
        %get3A_93 = arith.constant 96 : index
        %get3A_94 = tpu.vector_load %arg10[%get3A_92, %get3A_93] {strides = array<i32>} : memref<128x128xf32, #tpu.memory_space<vmem>>, vector<16xf32>,
        %mul3A_95 = arith.mulf %get3A_94, %gather3A : vector<16xf32>
        %swap3A_96 = arith.index_cast %scan3A_48 : i32 to index
        %swap3A_97 = arith.constant 96 : index
        %swap3A_98 = tpu.vector_load %arg10[%swap3A_96, %swap3A_97] {strides = array<i32>} : memref<128x128xf32, #tpu.memory_space<vmem>>, vector<16xf32>,
        tpu.vector_store %arg10[%swap3A_96, %swap3A_97], %mul3A_95 {strides = array<i32>} : memref<128x128xf32, #tpu.memory_space<vmem>>, vector<16xf32>,
        %get3A_99 = arith.index_cast %scan3A_48 : i32 to index
        %get3A_100 = arith.constant 112 : index
        %get3A_101 = tpu.vector_load %arg10[%get3A_99, %get3A_100] {strides = array<i32>} : memref<128x128xf32, #tpu.memory_space<vmem>>, vector<16xf32>,
        %mul3A_102 = arith.mulf %get3A_101, %gather3A : vector<16xf32>
        %swap3A_103 = arith.index_cast %scan3A_48 : i32 to index
        %swap3A_104 = arith.constant 112 : index
        %swap3A_105 = tpu.vector_load %arg10[%swap3A_103, %swap3A_104] {strides = array<i32>} : memref<128x128xf32, #tpu.memory_space<vmem>>, vector<16xf32>,
        tpu.vector_store %arg10[%swap3A_103, %swap3A_104], %mul3A_102 {strides = array<i32>} : memref<128x128xf32, #tpu.memory_space<vmem>>, vector<16xf32>,
        %scan3A_106 = arith.constant 0 : i32
        scf.yield %scan3A_106 : i32
      }
      %scan3A_46 = arith.constant 128 : i32
      "tpu.region"() ({
        %run_scoped3A = tpu.sem_alloc : memref<!tpu.dma_semaphore, #tpu.memory_space<semaphore_mem>>
        %dma_start3A_48 = arith.constant 0 : i32
        %dma_start3A_49 = tpu.memref_slice %arg8[%scan3A_28, %dma_start3A_48] : memref<79x128xi32, #tpu.memory_space<vmem>> -> memref<1x128xi32, #tpu.memory_space<vmem>>
        %dma_start3A_50 = tpu.memref_squeeze %dma_start3A_49 : memref<1x128xi32, #tpu.memory_space<vmem>> -> memref<128xi32, #tpu.memory_space<vmem>>
        %dma_start3A_51 = arith.constant 0 : i32
        %dma_start3A_52 = arith.constant 0 : i32
        %dma_start3A_53 = tpu.memref_slice %arg11[%dma_start3A_51, %dma_start3A_52] : memref<10240x128xf32, #tpu.memory_space<vmem_shared>> -> memref<10240x128xf32, #tpu.memory_space<vmem_shared>>
        tpu.enqueue_indirect_dma source(%arg10 : memref<128x128xf32, #tpu.memory_space<vmem>>) target(%dma_start3A_53 : memref<10240x128xf32, #tpu.memory_space<vmem_shared>>) offsets(%dma_start3A_50 : memref<128xi32, #tpu.memory_space<vmem>>) semaphore(%run_scoped3A : memref<!tpu.dma_semaphore, #tpu.memory_space<semaphore_mem>>) {add = true}
        %dma_wait3A_54 = arith.constant 0 : i32
        %dma_wait3A_55 = tpu.memref_slice %arg8[%scan3A_28, %dma_wait3A_54] : memref<79x128xi32, #tpu.memory_space<vmem>> -> memref<1x128xi32, #tpu.memory_space<vmem>>
        %dma_wait3A_56 = tpu.memref_squeeze %dma_wait3A_55 : memref<1x128xi32, #tpu.memory_space<vmem>> -> memref<128xi32, #tpu.memory_space<vmem>>
        %dma_wait3A_57 = arith.constant 0 : i32
        %dma_wait3A_58 = arith.constant 0 : i32
        %dma_wait3A_59 = tpu.memref_slice %arg11[%dma_wait3A_57, %dma_wait3A_58] : memref<10240x128xf32, #tpu.memory_space<vmem_shared>> -> memref<10240x128xf32, #tpu.memory_space<vmem_shared>>
        tpu.wait_indirect_dma semaphore(%run_scoped3A : memref<!tpu.dma_semaphore, #tpu.memory_space<semaphore_mem>>) src(%arg10 : memref<128x128xf32, #tpu.memory_space<vmem>>) dst(%dma_wait3A_59 : memref<10240x128xf32, #tpu.memory_space<vmem_shared>>)
        tpu.yield
      }) : () -> ()
      %scan3A_47 = arith.constant 0 : i32
      scf.yield %scan3A_47 : i32
    }
    %scan3A_26 = arith.constant 79 : i32
    %barrier3A_27 = arith.constant 0 : index
    tpu.barrier barrier_id(%barrier3A_27)
    "tpu.region"() ({
      %run_scoped3A = tpu.sem_alloc : memref<!tpu.dma_semaphore, #tpu.memory_space<semaphore_mem>>
      %dma_start3A = arith.constant 0 : i32
      %dma_start3A_28 = tpu.memref_slice %arg6[%arg0, %mul3A_9, %dma_start3A] : memref<2x10240x128xf32, #tpu.memory_space<hbm>> -> memref<1x640x128xf32, #tpu.memory_space<hbm>>
      %dma_start3A_29 = tpu.memref_squeeze %dma_start3A_28 : memref<1x640x128xf32, #tpu.memory_space<hbm>> -> memref<640x128xf32, #tpu.memory_space<hbm>>
      %dma_start3A_30 = arith.constant 0 : i32
      %dma_start3A_31 = tpu.memref_slice %arg11[%mul3A_9, %dma_start3A_30] : memref<10240x128xf32, #tpu.memory_space<vmem_shared>> -> memref<640x128xf32, #tpu.memory_space<vmem_shared>>
      tpu.enqueue_dma source(%dma_start3A_31 : memref<640x128xf32, #tpu.memory_space<vmem_shared>>) target(%dma_start3A_29 : memref<640x128xf32, #tpu.memory_space<hbm>>) target_semaphore(%run_scoped3A : memref<!tpu.dma_semaphore, #tpu.memory_space<semaphore_mem>>)
      %dma_wait3A = arith.constant 0 : i32
      %dma_wait3A_32 = tpu.memref_slice %arg6[%arg0, %mul3A_9, %dma_wait3A] : memref<2x10240x128xf32, #tpu.memory_space<hbm>> -> memref<1x640x128xf32, #tpu.memory_space<hbm>>
      %dma_wait3A_33 = tpu.memref_squeeze %dma_wait3A_32 : memref<1x640x128xf32, #tpu.memory_space<hbm>> -> memref<640x128xf32, #tpu.memory_space<hbm>>
      %dma_wait3A_34 = arith.constant 0 : i32
      %dma_wait3A_35 = tpu.memref_slice %arg11[%mul3A_9, %dma_wait3A_34] : memref<10240x128xf32, #tpu.memory_space<vmem_shared>> -> memref<640x128xf32, #tpu.memory_space<vmem_shared>>
      tpu.wait_dma2 semaphore(%run_scoped3A : memref<!tpu.dma_semaphore, #tpu.memory_space<semaphore_mem>>) src(%dma_wait3A_35 : memref<640x128xf32, #tpu.memory_space<vmem_shared>>) dst(%dma_wait3A_33 : memref<640x128xf32, #tpu.memory_space<hbm>>)
      tpu.yield
    }) : () -> ()
    return
  }
}

#map = affine_map<(d0, d1) -> (0, 0, 0)>
#map1 = affine_map<(d0, d1) -> (0, 0)>
module attributes {stable_mosaic.version = 14 : i64} {
  func.func @spmm(%arg0: i32, %arg1: i32, %arg2: memref<32x79x128xi32, #tpu.memory_space<hbm>>, %arg3: memref<32x79x128xi32, #tpu.memory_space<hbm>>, %arg4: memref<32x79x128xf32, #tpu.memory_space<hbm>>, %arg5: memref<10240x128xf32, #tpu.memory_space<hbm>>, %arg6: memref<2x10240x128xf32, #tpu.memory_space<hbm>>, %arg7: memref<79x128xi32, #tpu.memory_space<vmem>>, %arg8: memref<79x128xi32, #tpu.memory_space<vmem>>, %arg9: memref<79x128xf32, #tpu.memory_space<vmem>>, %arg10: memref<128x128xf32, #tpu.memory_space<vmem>>, %arg11: memref<10240x128xf32, #tpu.memory_space<vmem_shared>>, %arg12: memref<!tpu.dma_semaphore, #tpu.memory_space<semaphore_mem>>) attributes {dimension_semantics = [#tpu.dimension_semantics<core_parallel>, #tpu.dimension_semantics<subcore_parallel>], iteration_bounds = array<i64: 2, 16>, scalar_prefetch = 0 : i64, scratch_operands = 6 : i64, tpu.core_type = #tpu.core_type<sc_vector_subcore>, window_params = [{transform_indices = #map}, {transform_indices = #map}, {transform_indices = #map}, {transform_indices = #map1}, {transform_indices = #map}]} {
    %mul3A = arith.constant 2 : i32
    %mul3A_0 = arith.muli %arg1, %mul3A : i32
    %add3A = arith.addi %mul3A_0, %arg0 : i32
    %broadcast_in_dim3A = arith.constant 0.000000e+00 : f32
    %broadcast_in_dim3A_1 = vector.broadcast %broadcast_in_dim3A : f32 to vector<16xf32>
    %scan3A = arith.constant 0 : i32
    %scan3A_2 = arith.constant 0 : i32
    %scan3A_3 = arith.constant 128 : i32
    %scan3A_4 = arith.addi %scan3A_2, %scan3A_3 : i32
    %scan3A_5 = arith.constant 1 : i32
    %scan3A_6 = scf.for %scan3A_28 = %scan3A_2 to %scan3A_4 step %scan3A_5 iter_args(%scan3A_29 = %scan3A) -> (i32)  : i32 {
      %swap3A = arith.index_cast %scan3A_28 : i32 to index
      %swap3A_30 = arith.constant 0 : index
      %swap3A_31 = tpu.vector_load %arg10[%swap3A, %swap3A_30] {strides = array<i32>} : memref<128x128xf32, #tpu.memory_space<vmem>>, vector<16xf32>,
      tpu.vector_store %arg10[%swap3A, %swap3A_30], %broadcast_in_dim3A_1 {strides = array<i32>} : memref<128x128xf32, #tpu.memory_space<vmem>>, vector<16xf32>,
      %swap3A_32 = arith.index_cast %scan3A_28 : i32 to index
      %swap3A_33 = arith.constant 16 : index
      %swap3A_34 = tpu.vector_load %arg10[%swap3A_32, %swap3A_33] {strides = array<i32>} : memref<128x128xf32, #tpu.memory_space<vmem>>, vector<16xf32>,
      tpu.vector_store %arg10[%swap3A_32, %swap3A_33], %broadcast_in_dim3A_1 {strides = array<i32>} : memref<128x128xf32, #tpu.memory_space<vmem>>, vector<16xf32>,
      %swap3A_35 = arith.index_cast %scan3A_28 : i32 to index
      %swap3A_36 = arith.constant 32 : index
      %swap3A_37 = tpu.vector_load %arg10[%swap3A_35, %swap3A_36] {strides = array<i32>} : memref<128x128xf32, #tpu.memory_space<vmem>>, vector<16xf32>,
      tpu.vector_store %arg10[%swap3A_35, %swap3A_36], %broadcast_in_dim3A_1 {strides = array<i32>} : memref<128x128xf32, #tpu.memory_space<vmem>>, vector<16xf32>,
      %swap3A_38 = arith.index_cast %scan3A_28 : i32 to index
      %swap3A_39 = arith.constant 48 : index
      %swap3A_40 = tpu.vector_load %arg10[%swap3A_38, %swap3A_39] {strides = array<i32>} : memref<128x128xf32, #tpu.memory_space<vmem>>, vector<16xf32>,
      tpu.vector_store %arg10[%swap3A_38, %swap3A_39], %broadcast_in_dim3A_1 {strides = array<i32>} : memref<128x128xf32, #tpu.memory_space<vmem>>, vector<16xf32>,
      %swap3A_41 = arith.index_cast %scan3A_28 : i32 to index
      %swap3A_42 = arith.constant 64 : index
      %swap3A_43 = tpu.vector_load %arg10[%swap3A_41, %swap3A_42] {strides = array<i32>} : memref<128x128xf32, #tpu.memory_space<vmem>>, vector<16xf32>,
      tpu.vector_store %arg10[%swap3A_41, %swap3A_42], %broadcast_in_dim3A_1 {strides = array<i32>} : memref<128x128xf32, #tpu.memory_space<vmem>>, vector<16xf32>,
      %swap3A_44 = arith.index_cast %scan3A_28 : i32 to index
      %swap3A_45 = arith.constant 80 : index
      %swap3A_46 = tpu.vector_load %arg10[%swap3A_44, %swap3A_45] {strides = array<i32>} : memref<128x128xf32, #tpu.memory_space<vmem>>, vector<16xf32>,
      tpu.vector_store %arg10[%swap3A_44, %swap3A_45], %broadcast_in_dim3A_1 {strides = array<i32>} : memref<128x128xf32, #tpu.memory_space<vmem>>, vector<16xf32>,
      %swap3A_47 = arith.index_cast %scan3A_28 : i32 to index
      %swap3A_48 = arith.constant 96 : index
      %swap3A_49 = tpu.vector_load %arg10[%swap3A_47, %swap3A_48] {strides = array<i32>} : memref<128x128xf32, #tpu.memory_space<vmem>>, vector<16xf32>,
      tpu.vector_store %arg10[%swap3A_47, %swap3A_48], %broadcast_in_dim3A_1 {strides = array<i32>} : memref<128x128xf32, #tpu.memory_space<vmem>>, vector<16xf32>,
      %swap3A_50 = arith.index_cast %scan3A_28 : i32 to index
      %swap3A_51 = arith.constant 112 : index
      %swap3A_52 = tpu.vector_load %arg10[%swap3A_50, %swap3A_51] {strides = array<i32>} : memref<128x128xf32, #tpu.memory_space<vmem>>, vector<16xf32>,
      tpu.vector_store %arg10[%swap3A_50, %swap3A_51], %broadcast_in_dim3A_1 {strides = array<i32>} : memref<128x128xf32, #tpu.memory_space<vmem>>, vector<16xf32>,
      %scan3A_53 = arith.constant 0 : i32
      scf.yield %scan3A_53 : i32
    }
    %scan3A_7 = arith.constant 128 : i32
    %mul3A_8 = arith.constant 640 : i32
    %mul3A_9 = arith.muli %arg1, %mul3A_8 : i32
    %add3A_10 = arith.constant 0 : i32
    %add3A_11 = arith.addi %mul3A_9, %add3A_10 : i32
    "tpu.region"() ({
      %run_scoped3A = tpu.sem_alloc : memref<!tpu.dma_semaphore, #tpu.memory_space<semaphore_mem>>
      %dma_start3A = arith.constant 0 : i32
      %dma_start3A_28 = tpu.memref_slice %arg11[%add3A_11, %dma_start3A] : memref<10240x128xf32, #tpu.memory_space<vmem_shared>> -> memref<128x128xf32, #tpu.memory_space<vmem_shared>>
      %dma_start3A_29 = arith.constant 0 : i32
      %dma_start3A_30 = tpu.memref_slice %arg11[%add3A_11, %dma_start3A_29] : memref<10240x128xf32, #tpu.memory_space<vmem_shared>> -> memref<128x128xf32, #tpu.memory_space<vmem_shared>>
      tpu.enqueue_dma source(%arg10 : memref<128x128xf32, #tpu.memory_space<vmem>>) target(%dma_start3A_30 : memref<128x128xf32, #tpu.memory_space<vmem_shared>>) target_semaphore(%run_scoped3A : memref<!tpu.dma_semaphore, #tpu.memory_space<semaphore_mem>>)
      %dma_wait3A = arith.constant 0 : i32
      %dma_wait3A_31 = tpu.memref_slice %arg11[%add3A_11, %dma_wait3A] : memref<10240x128xf32, #tpu.memory_space<vmem_shared>> -> memref<128x128xf32, #tpu.memory_space<vmem_shared>>
      %dma_wait3A_32 = arith.constant 0 : i32
      %dma_wait3A_33 = tpu.memref_slice %arg11[%add3A_11, %dma_wait3A_32] : memref<10240x128xf32, #tpu.memory_space<vmem_shared>> -> memref<128x128xf32, #tpu.memory_space<vmem_shared>>
      tpu.wait_dma2 semaphore(%run_scoped3A : memref<!tpu.dma_semaphore, #tpu.memory_space<semaphore_mem>>) src(%arg10 : memref<128x128xf32, #tpu.memory_space<vmem>>) dst(%dma_wait3A_33 : memref<128x128xf32, #tpu.memory_space<vmem_shared>>)
      tpu.yield
    }) : () -> ()
    %add3A_12 = arith.constant 128 : i32
    %add3A_13 = arith.addi %mul3A_9, %add3A_12 : i32
    "tpu.region"() ({
      %run_scoped3A = tpu.sem_alloc : memref<!tpu.dma_semaphore, #tpu.memory_space<semaphore_mem>>
      %dma_start3A = arith.constant 0 : i32
      %dma_start3A_28 = tpu.memref_slice %arg11[%add3A_13, %dma_start3A] : memref<10240x128xf32, #tpu.memory_space<vmem_shared>> -> memref<128x128xf32, #tpu.memory_space<vmem_shared>>
      %dma_start3A_29 = arith.constant 0 : i32
      %dma_start3A_30 = tpu.memref_slice %arg11[%add3A_13, %dma_start3A_29] : memref<10240x128xf32, #tpu.memory_space<vmem_shared>> -> memref<128x128xf32, #tpu.memory_space<vmem_shared>>
      tpu.enqueue_dma source(%arg10 : memref<128x128xf32, #tpu.memory_space<vmem>>) target(%dma_start3A_30 : memref<128x128xf32, #tpu.memory_space<vmem_shared>>) target_semaphore(%run_scoped3A : memref<!tpu.dma_semaphore, #tpu.memory_space<semaphore_mem>>)
      %dma_wait3A = arith.constant 0 : i32
      %dma_wait3A_31 = tpu.memref_slice %arg11[%add3A_13, %dma_wait3A] : memref<10240x128xf32, #tpu.memory_space<vmem_shared>> -> memref<128x128xf32, #tpu.memory_space<vmem_shared>>
      %dma_wait3A_32 = arith.constant 0 : i32
      %dma_wait3A_33 = tpu.memref_slice %arg11[%add3A_13, %dma_wait3A_32] : memref<10240x128xf32, #tpu.memory_space<vmem_shared>> -> memref<128x128xf32, #tpu.memory_space<vmem_shared>>
      tpu.wait_dma2 semaphore(%run_scoped3A : memref<!tpu.dma_semaphore, #tpu.memory_space<semaphore_mem>>) src(%arg10 : memref<128x128xf32, #tpu.memory_space<vmem>>) dst(%dma_wait3A_33 : memref<128x128xf32, #tpu.memory_space<vmem_shared>>)
      tpu.yield
    }) : () -> ()
    %add3A_14 = arith.constant 256 : i32
    %add3A_15 = arith.addi %mul3A_9, %add3A_14 : i32
    "tpu.region"() ({
      %run_scoped3A = tpu.sem_alloc : memref<!tpu.dma_semaphore, #tpu.memory_space<semaphore_mem>>
      %dma_start3A = arith.constant 0 : i32
      %dma_start3A_28 = tpu.memref_slice %arg11[%add3A_15, %dma_start3A] : memref<10240x128xf32, #tpu.memory_space<vmem_shared>> -> memref<128x128xf32, #tpu.memory_space<vmem_shared>>
      %dma_start3A_29 = arith.constant 0 : i32
      %dma_start3A_30 = tpu.memref_slice %arg11[%add3A_15, %dma_start3A_29] : memref<10240x128xf32, #tpu.memory_space<vmem_shared>> -> memref<128x128xf32, #tpu.memory_space<vmem_shared>>
      tpu.enqueue_dma source(%arg10 : memref<128x128xf32, #tpu.memory_space<vmem>>) target(%dma_start3A_30 : memref<128x128xf32, #tpu.memory_space<vmem_shared>>) target_semaphore(%run_scoped3A : memref<!tpu.dma_semaphore, #tpu.memory_space<semaphore_mem>>)
      %dma_wait3A = arith.constant 0 : i32
      %dma_wait3A_31 = tpu.memref_slice %arg11[%add3A_15, %dma_wait3A] : memref<10240x128xf32, #tpu.memory_space<vmem_shared>> -> memref<128x128xf32, #tpu.memory_space<vmem_shared>>
      %dma_wait3A_32 = arith.constant 0 : i32
      %dma_wait3A_33 = tpu.memref_slice %arg11[%add3A_15, %dma_wait3A_32] : memref<10240x128xf32, #tpu.memory_space<vmem_shared>> -> memref<128x128xf32, #tpu.memory_space<vmem_shared>>
      tpu.wait_dma2 semaphore(%run_scoped3A : memref<!tpu.dma_semaphore, #tpu.memory_space<semaphore_mem>>) src(%arg10 : memref<128x128xf32, #tpu.memory_space<vmem>>) dst(%dma_wait3A_33 : memref<128x128xf32, #tpu.memory_space<vmem_shared>>)
      tpu.yield
    }) : () -> ()
    %add3A_16 = arith.constant 384 : i32
    %add3A_17 = arith.addi %mul3A_9, %add3A_16 : i32
    "tpu.region"() ({
      %run_scoped3A = tpu.sem_alloc : memref<!tpu.dma_semaphore, #tpu.memory_space<semaphore_mem>>
      %dma_start3A = arith.constant 0 : i32
      %dma_start3A_28 = tpu.memref_slice %arg11[%add3A_17, %dma_start3A] : memref<10240x128xf32, #tpu.memory_space<vmem_shared>> -> memref<128x128xf32, #tpu.memory_space<vmem_shared>>
      %dma_start3A_29 = arith.constant 0 : i32
      %dma_start3A_30 = tpu.memref_slice %arg11[%add3A_17, %dma_start3A_29] : memref<10240x128xf32, #tpu.memory_space<vmem_shared>> -> memref<128x128xf32, #tpu.memory_space<vmem_shared>>
      tpu.enqueue_dma source(%arg10 : memref<128x128xf32, #tpu.memory_space<vmem>>) target(%dma_start3A_30 : memref<128x128xf32, #tpu.memory_space<vmem_shared>>) target_semaphore(%run_scoped3A : memref<!tpu.dma_semaphore, #tpu.memory_space<semaphore_mem>>)
      %dma_wait3A = arith.constant 0 : i32
      %dma_wait3A_31 = tpu.memref_slice %arg11[%add3A_17, %dma_wait3A] : memref<10240x128xf32, #tpu.memory_space<vmem_shared>> -> memref<128x128xf32, #tpu.memory_space<vmem_shared>>
      %dma_wait3A_32 = arith.constant 0 : i32
      %dma_wait3A_33 = tpu.memref_slice %arg11[%add3A_17, %dma_wait3A_32] : memref<10240x128xf32, #tpu.memory_space<vmem_shared>> -> memref<128x128xf32, #tpu.memory_space<vmem_shared>>
      tpu.wait_dma2 semaphore(%run_scoped3A : memref<!tpu.dma_semaphore, #tpu.memory_space<semaphore_mem>>) src(%arg10 : memref<128x128xf32, #tpu.memory_space<vmem>>) dst(%dma_wait3A_33 : memref<128x128xf32, #tpu.memory_space<vmem_shared>>)
      tpu.yield
    }) : () -> ()
    %add3A_18 = arith.constant 512 : i32
    %add3A_19 = arith.addi %mul3A_9, %add3A_18 : i32
    "tpu.region"() ({
      %run_scoped3A = tpu.sem_alloc : memref<!tpu.dma_semaphore, #tpu.memory_space<semaphore_mem>>
      %dma_start3A = arith.constant 0 : i32
      %dma_start3A_28 = tpu.memref_slice %arg11[%add3A_19, %dma_start3A] : memref<10240x128xf32, #tpu.memory_space<vmem_shared>> -> memref<128x128xf32, #tpu.memory_space<vmem_shared>>
      %dma_start3A_29 = arith.constant 0 : i32
      %dma_start3A_30 = tpu.memref_slice %arg11[%add3A_19, %dma_start3A_29] : memref<10240x128xf32, #tpu.memory_space<vmem_shared>> -> memref<128x128xf32, #tpu.memory_space<vmem_shared>>
      tpu.enqueue_dma source(%arg10 : memref<128x128xf32, #tpu.memory_space<vmem>>) target(%dma_start3A_30 : memref<128x128xf32, #tpu.memory_space<vmem_shared>>) target_semaphore(%run_scoped3A : memref<!tpu.dma_semaphore, #tpu.memory_space<semaphore_mem>>)
      %dma_wait3A = arith.constant 0 : i32
      %dma_wait3A_31 = tpu.memref_slice %arg11[%add3A_19, %dma_wait3A] : memref<10240x128xf32, #tpu.memory_space<vmem_shared>> -> memref<128x128xf32, #tpu.memory_space<vmem_shared>>
      %dma_wait3A_32 = arith.constant 0 : i32
      %dma_wait3A_33 = tpu.memref_slice %arg11[%add3A_19, %dma_wait3A_32] : memref<10240x128xf32, #tpu.memory_space<vmem_shared>> -> memref<128x128xf32, #tpu.memory_space<vmem_shared>>
      tpu.wait_dma2 semaphore(%run_scoped3A : memref<!tpu.dma_semaphore, #tpu.memory_space<semaphore_mem>>) src(%arg10 : memref<128x128xf32, #tpu.memory_space<vmem>>) dst(%dma_wait3A_33 : memref<128x128xf32, #tpu.memory_space<vmem_shared>>)
      tpu.yield
    }) : () -> ()
    %barrier3A = arith.constant 0 : index
    tpu.barrier barrier_id(%barrier3A)
    "tpu.region"() ({
      %run_scoped3A = tpu.sem_alloc : memref<!tpu.dma_semaphore, #tpu.memory_space<semaphore_mem>>
      %dma_start3A = arith.constant 0 : i32
      %dma_start3A_28 = arith.constant 0 : i32
      %dma_start3A_29 = tpu.memref_slice %arg2[%add3A, %dma_start3A, %dma_start3A_28] : memref<32x79x128xi32, #tpu.memory_space<hbm>> -> memref<1x79x128xi32, #tpu.memory_space<hbm>>
      %dma_start3A_30 = tpu.memref_squeeze %dma_start3A_29 : memref<1x79x128xi32, #tpu.memory_space<hbm>> -> memref<79x128xi32, #tpu.memory_space<hbm>>
      %dma_start3A_31 = arith.constant 0 : i32
      %dma_start3A_32 = arith.constant 0 : i32
      %dma_start3A_33 = tpu.memref_slice %arg2[%add3A, %dma_start3A_31, %dma_start3A_32] : memref<32x79x128xi32, #tpu.memory_space<hbm>> -> memref<1x79x128xi32, #tpu.memory_space<hbm>>
      %dma_start3A_34 = tpu.memref_squeeze %dma_start3A_33 : memref<1x79x128xi32, #tpu.memory_space<hbm>> -> memref<79x128xi32, #tpu.memory_space<hbm>>
      tpu.enqueue_dma source(%dma_start3A_34 : memref<79x128xi32, #tpu.memory_space<hbm>>) target(%arg7 : memref<79x128xi32, #tpu.memory_space<vmem>>) target_semaphore(%run_scoped3A : memref<!tpu.dma_semaphore, #tpu.memory_space<semaphore_mem>>)
      %dma_wait3A = arith.constant 0 : i32
      %dma_wait3A_35 = arith.constant 0 : i32
      %dma_wait3A_36 = tpu.memref_slice %arg2[%add3A, %dma_wait3A, %dma_wait3A_35] : memref<32x79x128xi32, #tpu.memory_space<hbm>> -> memref<1x79x128xi32, #tpu.memory_space<hbm>>
      %dma_wait3A_37 = tpu.memref_squeeze %dma_wait3A_36 : memref<1x79x128xi32, #tpu.memory_space<hbm>> -> memref<79x128xi32, #tpu.memory_space<hbm>>
      %dma_wait3A_38 = arith.constant 0 : i32
      %dma_wait3A_39 = arith.constant 0 : i32
      %dma_wait3A_40 = tpu.memref_slice %arg2[%add3A, %dma_wait3A_38, %dma_wait3A_39] : memref<32x79x128xi32, #tpu.memory_space<hbm>> -> memref<1x79x128xi32, #tpu.memory_space<hbm>>
      %dma_wait3A_41 = tpu.memref_squeeze %dma_wait3A_40 : memref<1x79x128xi32, #tpu.memory_space<hbm>> -> memref<79x128xi32, #tpu.memory_space<hbm>>
      tpu.wait_dma2 semaphore(%run_scoped3A : memref<!tpu.dma_semaphore, #tpu.memory_space<semaphore_mem>>) src(%dma_wait3A_41 : memref<79x128xi32, #tpu.memory_space<hbm>>) dst(%arg7 : memref<79x128xi32, #tpu.memory_space<vmem>>)
      tpu.yield
    }) : () -> ()
    "tpu.region"() ({
      %run_scoped3A = tpu.sem_alloc : memref<!tpu.dma_semaphore, #tpu.memory_space<semaphore_mem>>
      %dma_start3A = arith.constant 0 : i32
      %dma_start3A_28 = arith.constant 0 : i32
      %dma_start3A_29 = tpu.memref_slice %arg3[%add3A, %dma_start3A, %dma_start3A_28] : memref<32x79x128xi32, #tpu.memory_space<hbm>> -> memref<1x79x128xi32, #tpu.memory_space<hbm>>
      %dma_start3A_30 = tpu.memref_squeeze %dma_start3A_29 : memref<1x79x128xi32, #tpu.memory_space<hbm>> -> memref<79x128xi32, #tpu.memory_space<hbm>>
      %dma_start3A_31 = arith.constant 0 : i32
      %dma_start3A_32 = arith.constant 0 : i32
      %dma_start3A_33 = tpu.memref_slice %arg3[%add3A, %dma_start3A_31, %dma_start3A_32] : memref<32x79x128xi32, #tpu.memory_space<hbm>> -> memref<1x79x128xi32, #tpu.memory_space<hbm>>
      %dma_start3A_34 = tpu.memref_squeeze %dma_start3A_33 : memref<1x79x128xi32, #tpu.memory_space<hbm>> -> memref<79x128xi32, #tpu.memory_space<hbm>>
      tpu.enqueue_dma source(%dma_start3A_34 : memref<79x128xi32, #tpu.memory_space<hbm>>) target(%arg8 : memref<79x128xi32, #tpu.memory_space<vmem>>) target_semaphore(%run_scoped3A : memref<!tpu.dma_semaphore, #tpu.memory_space<semaphore_mem>>)
      %dma_wait3A = arith.constant 0 : i32
      %dma_wait3A_35 = arith.constant 0 : i32
      %dma_wait3A_36 = tpu.memref_slice %arg3[%add3A, %dma_wait3A, %dma_wait3A_35] : memref<32x79x128xi32, #tpu.memory_space<hbm>> -> memref<1x79x128xi32, #tpu.memory_space<hbm>>
      %dma_wait3A_37 = tpu.memref_squeeze %dma_wait3A_36 : memref<1x79x128xi32, #tpu.memory_space<hbm>> -> memref<79x128xi32, #tpu.memory_space<hbm>>
      %dma_wait3A_38 = arith.constant 0 : i32
      %dma_wait3A_39 = arith.constant 0 : i32
      %dma_wait3A_40 = tpu.memref_slice %arg3[%add3A, %dma_wait3A_38, %dma_wait3A_39] : memref<32x79x128xi32, #tpu.memory_space<hbm>> -> memref<1x79x128xi32, #tpu.memory_space<hbm>>
      %dma_wait3A_41 = tpu.memref_squeeze %dma_wait3A_40 : memref<1x79x128xi32, #tpu.memory_space<hbm>> -> memref<79x128xi32, #tpu.memory_space<hbm>>
      tpu.wait_dma2 semaphore(%run_scoped3A : memref<!tpu.dma_semaphore, #tpu.memory_space<semaphore_mem>>) src(%dma_wait3A_41 : memref<79x128xi32, #tpu.memory_space<hbm>>) dst(%arg8 : memref<79x128xi32, #tpu.memory_space<vmem>>)
      tpu.yield
    }) : () -> ()
    "tpu.region"() ({
      %run_scoped3A = tpu.sem_alloc : memref<!tpu.dma_semaphore, #tpu.memory_space<semaphore_mem>>
      %dma_start3A = arith.constant 0 : i32
      %dma_start3A_28 = arith.constant 0 : i32
      %dma_start3A_29 = tpu.memref_slice %arg4[%add3A, %dma_start3A, %dma_start3A_28] : memref<32x79x128xf32, #tpu.memory_space<hbm>> -> memref<1x79x128xf32, #tpu.memory_space<hbm>>
      %dma_start3A_30 = tpu.memref_squeeze %dma_start3A_29 : memref<1x79x128xf32, #tpu.memory_space<hbm>> -> memref<79x128xf32, #tpu.memory_space<hbm>>
      %dma_start3A_31 = arith.constant 0 : i32
      %dma_start3A_32 = arith.constant 0 : i32
      %dma_start3A_33 = tpu.memref_slice %arg4[%add3A, %dma_start3A_31, %dma_start3A_32] : memref<32x79x128xf32, #tpu.memory_space<hbm>> -> memref<1x79x128xf32, #tpu.memory_space<hbm>>
      %dma_start3A_34 = tpu.memref_squeeze %dma_start3A_33 : memref<1x79x128xf32, #tpu.memory_space<hbm>> -> memref<79x128xf32, #tpu.memory_space<hbm>>
      tpu.enqueue_dma source(%dma_start3A_34 : memref<79x128xf32, #tpu.memory_space<hbm>>) target(%arg9 : memref<79x128xf32, #tpu.memory_space<vmem>>) target_semaphore(%run_scoped3A : memref<!tpu.dma_semaphore, #tpu.memory_space<semaphore_mem>>)
      %dma_wait3A = arith.constant 0 : i32
      %dma_wait3A_35 = arith.constant 0 : i32
      %dma_wait3A_36 = tpu.memref_slice %arg4[%add3A, %dma_wait3A, %dma_wait3A_35] : memref<32x79x128xf32, #tpu.memory_space<hbm>> -> memref<1x79x128xf32, #tpu.memory_space<hbm>>
      %dma_wait3A_37 = tpu.memref_squeeze %dma_wait3A_36 : memref<1x79x128xf32, #tpu.memory_space<hbm>> -> memref<79x128xf32, #tpu.memory_space<hbm>>
      %dma_wait3A_38 = arith.constant 0 : i32
      %dma_wait3A_39 = arith.constant 0 : i32
      %dma_wait3A_40 = tpu.memref_slice %arg4[%add3A, %dma_wait3A_38, %dma_wait3A_39] : memref<32x79x128xf32, #tpu.memory_space<hbm>> -> memref<1x79x128xf32, #tpu.memory_space<hbm>>
      %dma_wait3A_41 = tpu.memref_squeeze %dma_wait3A_40 : memref<1x79x128xf32, #tpu.memory_space<hbm>> -> memref<79x128xf32, #tpu.memory_space<hbm>>
      tpu.wait_dma2 semaphore(%run_scoped3A : memref<!tpu.dma_semaphore, #tpu.memory_space<semaphore_mem>>) src(%dma_wait3A_41 : memref<79x128xf32, #tpu.memory_space<hbm>>) dst(%arg9 : memref<79x128xf32, #tpu.memory_space<vmem>>)
      tpu.yield
    }) : () -> ()
    %scan3A_20 = arith.constant 0 : i32
    %scan3A_21 = arith.constant 0 : i32
    %scan3A_22 = arith.constant 79 : i32
    %scan3A_23 = arith.addi %scan3A_21, %scan3A_22 : i32
    %scan3A_24 = arith.constant 1 : i32
    %scan3A_25 = scf.for %scan3A_28 = %scan3A_21 to %scan3A_23 step %scan3A_24 iter_args(%scan3A_29 = %scan3A_20) -> (i32)  : i32 {
      %dma_start3A = arith.constant 0 : i32
      %dma_start3A_30 = tpu.memref_slice %arg7[%scan3A_28, %dma_start3A] : memref<79x128xi32, #tpu.memory_space<vmem>> -> memref<1x128xi32, #tpu.memory_space<vmem>>
      %dma_start3A_31 = tpu.memref_squeeze %dma_start3A_30 : memref<1x128xi32, #tpu.memory_space<vmem>> -> memref<128xi32, #tpu.memory_space<vmem>>
      %dma_start3A_32 = arith.constant 0 : i32
      %dma_start3A_33 = arith.constant 0 : i32
      %dma_start3A_34 = tpu.memref_slice %arg5[%dma_start3A_32, %dma_start3A_33] : memref<10240x128xf32, #tpu.memory_space<hbm>> -> memref<10240x128xf32, #tpu.memory_space<hbm>>
      tpu.enqueue_indirect_dma source(%dma_start3A_34 : memref<10240x128xf32, #tpu.memory_space<hbm>>) target(%arg10 : memref<128x128xf32, #tpu.memory_space<vmem>>) offsets(%dma_start3A_31 : memref<128xi32, #tpu.memory_space<vmem>>) semaphore(%arg12 : memref<!tpu.dma_semaphore, #tpu.memory_space<semaphore_mem>>)
      %dma_wait3A = arith.constant 0 : i32
      %dma_wait3A_35 = tpu.memref_slice %arg7[%scan3A_28, %dma_wait3A] : memref<79x128xi32, #tpu.memory_space<vmem>> -> memref<1x128xi32, #tpu.memory_space<vmem>>
      %dma_wait3A_36 = tpu.memref_squeeze %dma_wait3A_35 : memref<1x128xi32, #tpu.memory_space<vmem>> -> memref<128xi32, #tpu.memory_space<vmem>>
      %dma_wait3A_37 = arith.constant 0 : i32
      %dma_wait3A_38 = arith.constant 0 : i32
      %dma_wait3A_39 = tpu.memref_slice %arg5[%dma_wait3A_37, %dma_wait3A_38] : memref<10240x128xf32, #tpu.memory_space<hbm>> -> memref<10240x128xf32, #tpu.memory_space<hbm>>
      tpu.wait_indirect_dma semaphore(%arg12 : memref<!tpu.dma_semaphore, #tpu.memory_space<semaphore_mem>>) src(%dma_wait3A_39 : memref<10240x128xf32, #tpu.memory_space<hbm>>) dst(%arg10 : memref<128x128xf32, #tpu.memory_space<vmem>>)
      %scan3A_40 = arith.constant 0 : i32
      %scan3A_41 = arith.constant 0 : i32
      %scan3A_42 = arith.constant 128 : i32
      %scan3A_43 = arith.addi %scan3A_41, %scan3A_42 : i32
      %scan3A_44 = arith.constant 1 : i32
      %scan3A_45 = scf.for %scan3A_48 = %scan3A_41 to %scan3A_43 step %scan3A_44 iter_args(%scan3A_49 = %scan3A_40) -> (i32)  : i32 {
        %broadcast_in_dim3A_50 = vector.broadcast %scan3A_28 : i32 to vector<16xi32>
        %broadcast_in_dim3A_51 = vector.broadcast %scan3A_48 : i32 to vector<16xi32>
        %gather3A = tpu.vector_load_idx %arg9[%broadcast_in_dim3A_50, %broadcast_in_dim3A_51] : memref<79x128xf32, #tpu.memory_space<vmem>>[vector<16xi32>, vector<16xi32>], vector<16xf32>,
        %get3A = arith.index_cast %scan3A_48 : i32 to index
        %get3A_52 = arith.constant 0 : index
        %get3A_53 = tpu.vector_load %arg10[%get3A, %get3A_52] {strides = array<i32>} : memref<128x128xf32, #tpu.memory_space<vmem>>, vector<16xf32>,
        %mul3A_54 = arith.mulf %get3A_53, %gather3A : vector<16xf32>
        %swap3A = arith.index_cast %scan3A_48 : i32 to index
        %swap3A_55 = arith.constant 0 : index
        %swap3A_56 = tpu.vector_load %arg10[%swap3A, %swap3A_55] {strides = array<i32>} : memref<128x128xf32, #tpu.memory_space<vmem>>, vector<16xf32>,
        tpu.vector_store %arg10[%swap3A, %swap3A_55], %mul3A_54 {strides = array<i32>} : memref<128x128xf32, #tpu.memory_space<vmem>>, vector<16xf32>,
        %get3A_57 = arith.index_cast %scan3A_48 : i32 to index
        %get3A_58 = arith.constant 16 : index
        %get3A_59 = tpu.vector_load %arg10[%get3A_57, %get3A_58] {strides = array<i32>} : memref<128x128xf32, #tpu.memory_space<vmem>>, vector<16xf32>,
        %mul3A_60 = arith.mulf %get3A_59, %gather3A : vector<16xf32>
        %swap3A_61 = arith.index_cast %scan3A_48 : i32 to index
        %swap3A_62 = arith.constant 16 : index
        %swap3A_63 = tpu.vector_load %arg10[%swap3A_61, %swap3A_62] {strides = array<i32>} : memref<128x128xf32, #tpu.memory_space<vmem>>, vector<16xf32>,
        tpu.vector_store %arg10[%swap3A_61, %swap3A_62], %mul3A_60 {strides = array<i32>} : memref<128x128xf32, #tpu.memory_space<vmem>>, vector<16xf32>,
        %get3A_64 = arith.index_cast %scan3A_48 : i32 to index
        %get3A_65 = arith.constant 32 : index
        %get3A_66 = tpu.vector_load %arg10[%get3A_64, %get3A_65] {strides = array<i32>} : memref<128x128xf32, #tpu.memory_space<vmem>>, vector<16xf32>,
        %mul3A_67 = arith.mulf %get3A_66, %gather3A : vector<16xf32>
        %swap3A_68 = arith.index_cast %scan3A_48 : i32 to index
        %swap3A_69 = arith.constant 32 : index
        %swap3A_70 = tpu.vector_load %arg10[%swap3A_68, %swap3A_69] {strides = array<i32>} : memref<128x128xf32, #tpu.memory_space<vmem>>, vector<16xf32>,
        tpu.vector_store %arg10[%swap3A_68, %swap3A_69], %mul3A_67 {strides = array<i32>} : memref<128x128xf32, #tpu.memory_space<vmem>>, vector<16xf32>,
        %get3A_71 = arith.index_cast %scan3A_48 : i32 to index
        %get3A_72 = arith.constant 48 : index
        %get3A_73 = tpu.vector_load %arg10[%get3A_71, %get3A_72] {strides = array<i32>} : memref<128x128xf32, #tpu.memory_space<vmem>>, vector<16xf32>,
        %mul3A_74 = arith.mulf %get3A_73, %gather3A : vector<16xf32>
        %swap3A_75 = arith.index_cast %scan3A_48 : i32 to index
        %swap3A_76 = arith.constant 48 : index
        %swap3A_77 = tpu.vector_load %arg10[%swap3A_75, %swap3A_76] {strides = array<i32>} : memref<128x128xf32, #tpu.memory_space<vmem>>, vector<16xf32>,
        tpu.vector_store %arg10[%swap3A_75, %swap3A_76], %mul3A_74 {strides = array<i32>} : memref<128x128xf32, #tpu.memory_space<vmem>>, vector<16xf32>,
        %get3A_78 = arith.index_cast %scan3A_48 : i32 to index
        %get3A_79 = arith.constant 64 : index
        %get3A_80 = tpu.vector_load %arg10[%get3A_78, %get3A_79] {strides = array<i32>} : memref<128x128xf32, #tpu.memory_space<vmem>>, vector<16xf32>,
        %mul3A_81 = arith.mulf %get3A_80, %gather3A : vector<16xf32>
        %swap3A_82 = arith.index_cast %scan3A_48 : i32 to index
        %swap3A_83 = arith.constant 64 : index
        %swap3A_84 = tpu.vector_load %arg10[%swap3A_82, %swap3A_83] {strides = array<i32>} : memref<128x128xf32, #tpu.memory_space<vmem>>, vector<16xf32>,
        tpu.vector_store %arg10[%swap3A_82, %swap3A_83], %mul3A_81 {strides = array<i32>} : memref<128x128xf32, #tpu.memory_space<vmem>>, vector<16xf32>,
        %get3A_85 = arith.index_cast %scan3A_48 : i32 to index
        %get3A_86 = arith.constant 80 : index
        %get3A_87 = tpu.vector_load %arg10[%get3A_85, %get3A_86] {strides = array<i32>} : memref<128x128xf32, #tpu.memory_space<vmem>>, vector<16xf32>,
        %mul3A_88 = arith.mulf %get3A_87, %gather3A : vector<16xf32>
        %swap3A_89 = arith.index_cast %scan3A_48 : i32 to index
        %swap3A_90 = arith.constant 80 : index
        %swap3A_91 = tpu.vector_load %arg10[%swap3A_89, %swap3A_90] {strides = array<i32>} : memref<128x128xf32, #tpu.memory_space<vmem>>, vector<16xf32>,
        tpu.vector_store %arg10[%swap3A_89, %swap3A_90], %mul3A_88 {strides = array<i32>} : memref<128x128xf32, #tpu.memory_space<vmem>>, vector<16xf32>,
        %get3A_92 = arith.index_cast %scan3A_48 : i32 to index
        %get3A_93 = arith.constant 96 : index
        %get3A_94 = tpu.vector_load %arg10[%get3A_92, %get3A_93] {strides = array<i32>} : memref<128x128xf32, #tpu.memory_space<vmem>>, vector<16xf32>,
        %mul3A_95 = arith.mulf %get3A_94, %gather3A : vector<16xf32>
        %swap3A_96 = arith.index_cast %scan3A_48 : i32 to index
        %swap3A_97 = arith.constant 96 : index
        %swap3A_98 = tpu.vector_load %arg10[%swap3A_96, %swap3A_97] {strides = array<i32>} : memref<128x128xf32, #tpu.memory_space<vmem>>, vector<16xf32>,
        tpu.vector_store %arg10[%swap3A_96, %swap3A_97], %mul3A_95 {strides = array<i32>} : memref<128x128xf32, #tpu.memory_space<vmem>>, vector<16xf32>,
        %get3A_99 = arith.index_cast %scan3A_48 : i32 to index
        %get3A_100 = arith.constant 112 : index
        %get3A_101 = tpu.vector_load %arg10[%get3A_99, %get3A_100] {strides = array<i32>} : memref<128x128xf32, #tpu.memory_space<vmem>>, vector<16xf32>,
        %mul3A_102 = arith.mulf %get3A_101, %gather3A : vector<16xf32>
        %swap3A_103 = arith.index_cast %scan3A_48 : i32 to index
        %swap3A_104 = arith.constant 112 : index
        %swap3A_105 = tpu.vector_load %arg10[%swap3A_103, %swap3A_104] {strides = array<i32>} : memref<128x128xf32, #tpu.memory_space<vmem>>, vector<16xf32>,
        tpu.vector_store %arg10[%swap3A_103, %swap3A_104], %mul3A_102 {strides = array<i32>} : memref<128x128xf32, #tpu.memory_space<vmem>>, vector<16xf32>,
        %scan3A_106 = arith.constant 0 : i32
        scf.yield %scan3A_106 : i32
      }
      %scan3A_46 = arith.constant 128 : i32
      "tpu.region"() ({
        %run_scoped3A = tpu.sem_alloc : memref<!tpu.dma_semaphore, #tpu.memory_space<semaphore_mem>>
        %dma_start3A_48 = arith.constant 0 : i32
        %dma_start3A_49 = tpu.memref_slice %arg8[%scan3A_28, %dma_start3A_48] : memref<79x128xi32, #tpu.memory_space<vmem>> -> memref<1x128xi32, #tpu.memory_space<vmem>>
        %dma_start3A_50 = tpu.memref_squeeze %dma_start3A_49 : memref<1x128xi32, #tpu.memory_space<vmem>> -> memref<128xi32, #tpu.memory_space<vmem>>
        %dma_start3A_51 = arith.constant 0 : i32
        %dma_start3A_52 = arith.constant 0 : i32
        %dma_start3A_53 = tpu.memref_slice %arg11[%dma_start3A_51, %dma_start3A_52] : memref<10240x128xf32, #tpu.memory_space<vmem_shared>> -> memref<10240x128xf32, #tpu.memory_space<vmem_shared>>
        tpu.enqueue_indirect_dma source(%arg10 : memref<128x128xf32, #tpu.memory_space<vmem>>) target(%dma_start3A_53 : memref<10240x128xf32, #tpu.memory_space<vmem_shared>>) offsets(%dma_start3A_50 : memref<128xi32, #tpu.memory_space<vmem>>) semaphore(%run_scoped3A : memref<!tpu.dma_semaphore, #tpu.memory_space<semaphore_mem>>) {add = true}
        %dma_wait3A_54 = arith.constant 0 : i32
        %dma_wait3A_55 = tpu.memref_slice %arg8[%scan3A_28, %dma_wait3A_54] : memref<79x128xi32, #tpu.memory_space<vmem>> -> memref<1x128xi32, #tpu.memory_space<vmem>>
        %dma_wait3A_56 = tpu.memref_squeeze %dma_wait3A_55 : memref<1x128xi32, #tpu.memory_space<vmem>> -> memref<128xi32, #tpu.memory_space<vmem>>
        %dma_wait3A_57 = arith.constant 0 : i32
        %dma_wait3A_58 = arith.constant 0 : i32
        %dma_wait3A_59 = tpu.memref_slice %arg11[%dma_wait3A_57, %dma_wait3A_58] : memref<10240x128xf32, #tpu.memory_space<vmem_shared>> -> memref<10240x128xf32, #tpu.memory_space<vmem_shared>>
        tpu.wait_indirect_dma semaphore(%run_scoped3A : memref<!tpu.dma_semaphore, #tpu.memory_space<semaphore_mem>>) src(%arg10 : memref<128x128xf32, #tpu.memory_space<vmem>>) dst(%dma_wait3A_59 : memref<10240x128xf32, #tpu.memory_space<vmem_shared>>)
        tpu.yield
      }) : () -> ()
      %scan3A_47 = arith.constant 0 : i32
      scf.yield %scan3A_47 : i32
    }
    %scan3A_26 = arith.constant 79 : i32
    %barrier3A_27 = arith.constant 0 : index
    tpu.barrier barrier_id(%barrier3A_27)
    "tpu.region"() ({
      %run_scoped3A = tpu.sem_alloc : memref<!tpu.dma_semaphore, #tpu.memory_space<semaphore_mem>>
      %dma_start3A = arith.constant 0 : i32
      %dma_start3A_28 = tpu.memref_slice %arg6[%arg0, %mul3A_9, %dma_start3A] : memref<2x10240x128xf32, #tpu.memory_space<hbm>> -> memref<1x640x128xf32, #tpu.memory_space<hbm>>
      %dma_start3A_29 = tpu.memref_squeeze %dma_start3A_28 : memref<1x640x128xf32, #tpu.memory_space<hbm>> -> memref<640x128xf32, #tpu.memory_space<hbm>>
      %dma_start3A_30 = arith.constant 0 : i32
      %dma_start3A_31 = tpu.memref_slice %arg11[%mul3A_9, %dma_start3A_30] : memref<10240x128xf32, #tpu.memory_space<vmem_shared>> -> memref<640x128xf32, #tpu.memory_space<vmem_shared>>
      tpu.enqueue_dma source(%dma_start3A_31 : memref<640x128xf32, #tpu.memory_space<vmem_shared>>) target(%dma_start3A_29 : memref<640x128xf32, #tpu.memory_space<hbm>>) target_semaphore(%run_scoped3A : memref<!tpu.dma_semaphore, #tpu.memory_space<semaphore_mem>>)
      %dma_wait3A = arith.constant 0 : i32
      %dma_wait3A_32 = tpu.memref_slice %arg6[%arg0, %mul3A_9, %dma_wait3A] : memref<2x10240x128xf32, #tpu.memory_space<hbm>> -> memref<1x640x128xf32, #tpu.memory_space<hbm>>
      %dma_wait3A_33 = tpu.memref_squeeze %dma_wait3A_32 : memref<1x640x128xf32, #tpu.memory_space<hbm>> -> memref<640x128xf32, #tpu.memory_space<hbm>>
      %dma_wait3A_34 = arith.constant 0 : i32
      %dma_wait3A_35 = tpu.memref_slice %arg11[%mul3A_9, %dma_wait3A_34] : memref<10240x128xf32, #tpu.memory_space<vmem_shared>> -> memref<640x128xf32, #tpu.memory_space<vmem_shared>>
      tpu.wait_dma2 semaphore(%run_scoped3A : memref<!tpu.dma_semaphore, #tpu.memory_space<semaphore_mem>>) src(%dma_wait3A_35 : memref<640x128xf32, #tpu.memory_space<vmem_shared>>) dst(%dma_wait3A_33 : memref<640x128xf32, #tpu.memory_space<hbm>>)
      tpu.yield
    }) : () -> ()
    return
  }
}

module attributes {stable_mosaic.version = 14 : i64} {
  func.func @body(%arg0: i32, %arg1: memref<1024x128xf32, #tpu.memory_space<vmem>>, %arg2: memref<128x128xf32, #tpu.memory_space<vmem>>, %arg3: memref<1x128xf32, #tpu.memory_space<vmem>>, %arg4: memref<1024x128xf32, #tpu.memory_space<vmem>>) attributes {dimension_semantics = [#tpu.dimension_semantics<arbitrary>], iteration_bounds = array<i64: 10>, scalar_prefetch = 0 : i64, scratch_operands = 0 : i64, tpu.core_type = #tpu.core_type<tc>, window_params = [{transform_indices = @transform_0, window_bounds = array<i64: 1024, 128>}, {pipeline_mode = #tpu.pipeline_mode<synchronous>, transform_indices = @transform_1, window_bounds = array<i64: 128, 128>}, {pipeline_mode = #tpu.pipeline_mode<synchronous>, transform_indices = @transform_2, window_bounds = array<i64: 1, 128>}, {transform_indices = @transform_3, window_bounds = array<i64: 1024, 128>}]} {
    %get3A = arith.constant 0 : index
    %get3A_0 = arith.constant 0 : index
    %get3A_1 = vector.load %arg1[%get3A, %get3A_0] : memref<1024x128xf32, #tpu.memory_space<vmem>>, vector<1024x128xf32>
    %get3A_2 = arith.constant 0 : index
    %get3A_3 = arith.constant 0 : index
    %get3A_4 = vector.load %arg2[%get3A_2, %get3A_3] : memref<128x128xf32, #tpu.memory_space<vmem>>, vector<128x128xf32>
    %dot_general3A = arith.constant dense<0.000000e+00> : vector<1024x128xf32>
    %dot_general3A_5 = tpu.matmul %get3A_1, %get3A_4, %dot_general3A {dimension_numbers = #tpu.dot_dimension_numbers<[1], [0], [0], [1], [0, 0, 1, 1], [], []>, transpose_lhs_hint = false} : vector<1024x128xf32>, vector<128x128xf32>, vector<1024x128xf32> -> vector<1024x128xf32>
    %get3A_6 = arith.constant 0 : index
    %get3A_7 = arith.constant 0 : index
    %get3A_8 = vector.load %arg3[%get3A_6, %get3A_7] : memref<1x128xf32, #tpu.memory_space<vmem>>, vector<1x128xf32>
    %add3A = vector.broadcast %get3A_8 : vector<1x128xf32> to vector<1024x128xf32>
    %add3A_9 = arith.addf %dot_general3A_5, %add3A : vector<1024x128xf32>
    %swap3A = arith.constant 0 : index
    %swap3A_10 = arith.constant 0 : index
    %swap3A_11 = vector.load %arg4[%swap3A, %swap3A_10] : memref<1024x128xf32, #tpu.memory_space<vmem>>, vector<1024x128xf32>
    tpu.vector_store %arg4[%swap3A, %swap3A_10], %add3A_9 {strides = array<i32>} : memref<1024x128xf32, #tpu.memory_space<vmem>>, vector<1024x128xf32>,
    return
  }
  func.func @transform_0(%arg0: i32) -> (i32, i32) {
    %c0_i32 = arith.constant 0 : i32
    %c0_i32_0 = arith.constant 0 : i32
    return %arg0, %c0_i32 : i32, i32
  }
  func.func @transform_1(%arg0: i32) -> (i32, i32) {
    %c0_i32 = arith.constant 0 : i32
    %c0_i32_0 = arith.constant 0 : i32
    %c0_i32_1 = arith.constant 0 : i32
    return %c0_i32, %c0_i32_0 : i32, i32
  }
  func.func @transform_2(%arg0: i32) -> (i32, i32) {
    %c0_i32 = arith.constant 0 : i32
    %c0_i32_0 = arith.constant 0 : i32
    %c0_i32_1 = arith.constant 0 : i32
    return %c0_i32, %c0_i32_0 : i32, i32
  }
  func.func @transform_3(%arg0: i32) -> (i32, i32) {
    %c0_i32 = arith.constant 0 : i32
    %c0_i32_0 = arith.constant 0 : i32
    return %arg0, %c0_i32 : i32, i32
  }
}

module attributes {stable_mosaic.version = 14 : i64} {
  func.func @body(%arg0: i32, %arg1: memref<2x1024x128xf32, #tpu.memory_space<vmem>>, %arg2: memref<1024x128xf32, #tpu.memory_space<vmem>>) attributes {dimension_semantics = [#tpu.dimension_semantics<arbitrary>], iteration_bounds = array<i64: 10>, scalar_prefetch = 0 : i64, scratch_operands = 0 : i64, tpu.core_type = #tpu.core_type<tc>, window_params = [{transform_indices = @transform_0, window_bounds = array<i64: 2, 1024, 128>}, {transform_indices = @transform_1, window_bounds = array<i64: 1024, 128>}]} {
    %get3A = arith.constant 0 : index
    %get3A_0 = arith.constant 0 : index
    %get3A_1 = arith.constant 0 : index
    %get3A_2 = vector.load %arg1[%get3A, %get3A_0, %get3A_1] : memref<2x1024x128xf32, #tpu.memory_space<vmem>>, vector<1x1024x128xf32>
    %get3A_3 = vector.shape_cast %get3A_2 : vector<1x1024x128xf32> to vector<1024x128xf32>
    %get3A_4 = arith.constant 1 : index
    %get3A_5 = arith.constant 0 : index
    %get3A_6 = arith.constant 0 : index
    %get3A_7 = vector.load %arg1[%get3A_4, %get3A_5, %get3A_6] : memref<2x1024x128xf32, #tpu.memory_space<vmem>>, vector<1x1024x128xf32>
    %get3A_8 = vector.shape_cast %get3A_7 : vector<1x1024x128xf32> to vector<1024x128xf32>
    %add3A = arith.addf %get3A_3, %get3A_8 : vector<1024x128xf32>
    %swap3A = arith.constant 0 : index
    %swap3A_9 = arith.constant 0 : index
    %swap3A_10 = vector.load %arg2[%swap3A, %swap3A_9] : memref<1024x128xf32, #tpu.memory_space<vmem>>, vector<1024x128xf32>
    tpu.vector_store %arg2[%swap3A, %swap3A_9], %add3A {strides = array<i32>} : memref<1024x128xf32, #tpu.memory_space<vmem>>, vector<1024x128xf32>,
    return
  }
  func.func @transform_0(%arg0: i32) -> (i32, i32, i32) {
    %c0_i32 = arith.constant 0 : i32
    %c0_i32_0 = arith.constant 0 : i32
    %c0_i32_1 = arith.constant 0 : i32
    return %c0_i32, %arg0, %c0_i32_0 : i32, i32, i32
  }
  func.func @transform_1(%arg0: i32) -> (i32, i32) {
    %c0_i32 = arith.constant 0 : i32
    %c0_i32_0 = arith.constant 0 : i32
    return %arg0, %c0_i32 : i32, i32
  }
}

module attributes {stable_mosaic.version = 14 : i64} {
  func.func @body(%arg0: i32, %arg1: memref<2x1024x128xf32, #tpu.memory_space<vmem>>, %arg2: memref<128x128xf32, #tpu.memory_space<vmem>>, %arg3: memref<1x128xf32, #tpu.memory_space<vmem>>, %arg4: memref<1024x128xf32, #tpu.memory_space<vmem>>) attributes {dimension_semantics = [#tpu.dimension_semantics<arbitrary>], iteration_bounds = array<i64: 10>, scalar_prefetch = 0 : i64, scratch_operands = 0 : i64, tpu.core_type = #tpu.core_type<tc>, window_params = [{transform_indices = @transform_0, window_bounds = array<i64: 2, 1024, 128>}, {pipeline_mode = #tpu.pipeline_mode<synchronous>, transform_indices = @transform_1, window_bounds = array<i64: 128, 128>}, {pipeline_mode = #tpu.pipeline_mode<synchronous>, transform_indices = @transform_2, window_bounds = array<i64: 1, 128>}, {transform_indices = @transform_3, window_bounds = array<i64: 1024, 128>}]} {
    %get3A = arith.constant 0 : index
    %get3A_0 = arith.constant 0 : index
    %get3A_1 = arith.constant 0 : index
    %get3A_2 = vector.load %arg1[%get3A, %get3A_0, %get3A_1] : memref<2x1024x128xf32, #tpu.memory_space<vmem>>, vector<1x1024x128xf32>
    %get3A_3 = vector.shape_cast %get3A_2 : vector<1x1024x128xf32> to vector<1024x128xf32>
    %get3A_4 = arith.constant 1 : index
    %get3A_5 = arith.constant 0 : index
    %get3A_6 = arith.constant 0 : index
    %get3A_7 = vector.load %arg1[%get3A_4, %get3A_5, %get3A_6] : memref<2x1024x128xf32, #tpu.memory_space<vmem>>, vector<1x1024x128xf32>
    %get3A_8 = vector.shape_cast %get3A_7 : vector<1x1024x128xf32> to vector<1024x128xf32>
    %add3A = arith.addf %get3A_3, %get3A_8 : vector<1024x128xf32>
    %max3A = arith.constant 0.000000e+00 : f32
    %max3A_9 = vector.broadcast %max3A : f32 to vector<1024x128xf32>
    %max3A_10 = arith.maximumf %add3A, %max3A_9 : vector<1024x128xf32>
    %get3A_11 = arith.constant 0 : index
    %get3A_12 = arith.constant 0 : index
    %get3A_13 = vector.load %arg2[%get3A_11, %get3A_12] : memref<128x128xf32, #tpu.memory_space<vmem>>, vector<128x128xf32>
    %dot_general3A = arith.constant dense<0.000000e+00> : vector<1024x128xf32>
    %dot_general3A_14 = tpu.matmul %max3A_10, %get3A_13, %dot_general3A {dimension_numbers = #tpu.dot_dimension_numbers<[1], [0], [0], [1], [0, 0, 1, 1], [], []>, transpose_lhs_hint = false} : vector<1024x128xf32>, vector<128x128xf32>, vector<1024x128xf32> -> vector<1024x128xf32>
    %get3A_15 = arith.constant 0 : index
    %get3A_16 = arith.constant 0 : index
    %get3A_17 = vector.load %arg3[%get3A_15, %get3A_16] : memref<1x128xf32, #tpu.memory_space<vmem>>, vector<1x128xf32>
    %add3A_18 = vector.broadcast %get3A_17 : vector<1x128xf32> to vector<1024x128xf32>
    %add3A_19 = arith.addf %dot_general3A_14, %add3A_18 : vector<1024x128xf32>
    %swap3A = arith.constant 0 : index
    %swap3A_20 = arith.constant 0 : index
    %swap3A_21 = vector.load %arg4[%swap3A, %swap3A_20] : memref<1024x128xf32, #tpu.memory_space<vmem>>, vector<1024x128xf32>
    tpu.vector_store %arg4[%swap3A, %swap3A_20], %add3A_19 {strides = array<i32>} : memref<1024x128xf32, #tpu.memory_space<vmem>>, vector<1024x128xf32>,
    return
  }
  func.func @transform_0(%arg0: i32) -> (i32, i32, i32) {
    %c0_i32 = arith.constant 0 : i32
    %c0_i32_0 = arith.constant 0 : i32
    %c0_i32_1 = arith.constant 0 : i32
    return %c0_i32, %arg0, %c0_i32_0 : i32, i32, i32
  }
  func.func @transform_1(%arg0: i32) -> (i32, i32) {
    %c0_i32 = arith.constant 0 : i32
    %c0_i32_0 = arith.constant 0 : i32
    %c0_i32_1 = arith.constant 0 : i32
    return %c0_i32, %c0_i32_0 : i32, i32
  }
  func.func @transform_2(%arg0: i32) -> (i32, i32) {
    %c0_i32 = arith.constant 0 : i32
    %c0_i32_0 = arith.constant 0 : i32
    %c0_i32_1 = arith.constant 0 : i32
    return %c0_i32, %c0_i32_0 : i32, i32
  }
  func.func @transform_3(%arg0: i32) -> (i32, i32) {
    %c0_i32 = arith.constant 0 : i32
    %c0_i32_0 = arith.constant 0 : i32
    return %arg0, %c0_i32 : i32, i32
  }
}

</mosaic_0001>

<sc_bundles>
// kernel: kernel.10.cloned.1.call-start
scs
__scs_entry_jumppad:
0x0: {  	(pc) =	sbr.rel $0x88, $3  }
0x1: {  	(tag) =	ssettag $0x0;
	lr =	simm.s32 $0x1  }
0x2: {  	[smem:$0x3F9A] =	sst lr;
	_ =	strace $0xD0000000  }
0x3: {  	_ = 	snop  }
0x4: {  	_ = 	snop  }
0x5: {  	_ = 	snop  }
0x6: {  	_ = 	snop  }
0x7: {  	_ = 	snop  }
__scs_overlays_trampoline_lowered:
0x8: {  	[smem:$0x3FA9] =	sst s0  }
0x9: {  	[smem:$0x3FAA] =	sst s1  }
0xa: {  	[smem:$0x3FAB] =	sst s2  }
0xb: {  	[smem:$0x3FAC] =	sst s3  }
0xc: {  	[smem:$0x3FAD] =	sst s4  }
0xd: {  	[smem:$0x3FAE] =	sst s5  }
0xe: {  	[smem:$0x3FAF] =	sst s6  }
0xf: {  	[smem:$0x3FB0] =	sst s7  }
0x10: {  	[smem:$0x3FB1] =	sst s8  }
0x11: {  	[smem:$0x3FB2] =	sst s9;
	s0 =	simm.s32 @!p0 $0x0  }
0x12: {  	s1 =	sld [smem:$0x3F98];
	s0 =	simm.s32 @p0 $0x1  }
0x13: {  	[smem:$0x3FB3] =	sst s0;
	s0 =	simm.s32 @!p1 $0x0  }
0x14: {  	s2 =	sld [smem:$0x3F97];
	s0 =	simm.s32 @p1 $0x1  }
0x15: {  	[smem:$0x3FB4] =	sst s0;
	s0 =	simm.s32 @!p2 $0x0  }
0x16: {  	s3 =	sld [smem:$0x3FDB];
	s0 =	simm.s32 @p2 $0x1  }
0x17: {  	s4 =	simm.s32 $0x1BF5;
	[smem:$0x3FB6] =	sst s0  }
0x18: {  	s0 =	sld [smem:$0x3F99];
	_ =	swait.ge [sflag:s4], $0x0  }
0x19: {  	s7 =	sld [smem:$0x3F9A]  }
0x1a: {  	s8 =	sadd.s32 $0xFFFFE003, lr  }
0x1b: {  	s9 =	sadd.s32 $0xFFFFFEF7, lr;
	s5 =	simm.s32 $0xFFFFFFFF;
	p2 =	slt.u32 s8, $0xFFFFF086  }
0x1c: {  	p1 =	slt.u32 s9, $0xF7A;
	s5 =	simm.s32 @!p2 $0x0  }
0x1d: {  	s5 =	simm.s32 @p1 $0x1;
	p0 =	seq.s32 s7, s2  }
0x1e: {  	s7 =	smul.u32 @!p0 $0xF7A, s2;
	p2 =	seq.s32 @!p0 s5, $0x0  }
0x1f: {  	s9 =	smul.u32 $0xF7A, s1;
	s8 =	simm.s32 @!p0 $0x1BF5;
	p2 =	por !p2, p0  }
0x20: {  	[sflag:s8] =	ssyncset.s32 @!p0 $0xFFFFF086;
	s6 =	sadd.s32 @!p0 s3, s7;
	s7 =	simm.s32 @!p0 $0x108  }
0x21: {  	s3 =	sadd.s32 s3, s9;
	s6 =	sadd.s32 @!p0 $0x88, s6;
	s7 =	simm.s32 @p2 $0x1082  }
0x22: {  	[simem:s7], [sflag:s8] =	dma.local @!p0 [hbm:s6], $0xF7A  }
0x23: {  	s9 =	sor.u32 $0xD0000000, s2;
	s6 =	simm.s32 $0x108;
	_ =	swait.ge @!p0 [sflag:s8], $0x0  }
0x24: {  	s3 =	sadd.s32 $0x88, s3;
	s6 =	simm.s32 @!p1 $0x1082;
	[sflag:s4] =	ssyncset.s32 $0xFFFFF086  }
0x25: {  	[simem:s6], [sflag:s4] =	dma.local [hbm:s3], $0xF7A  }
0x26: {  	[smem:$0x3F9A] =	sst s1;
	(tag) =	ssettag s2;
	_ =	strace s9  }
0x27: {  	s1 =	sld [smem:$0x3FAA]  }
0x28: {  	s2 =	sld [smem:$0x3FAB]  }
0x29: {  	s4 =	sld [smem:$0x3FAD]  }
0x2a: {  	p0 =	seq.s32 s5, $0x0;
	s5 =	sld [smem:$0x3FAE]  }
0x2b: {  	s6 =	sld [smem:$0x3FAF]  }
0x2c: {  	s7 =	sld [smem:$0x3FB0]  }
0x2d: {  	s3 =	simm.s32 $0x108;
	s8 =	sld [smem:$0x3FB1]  }
0x2e: {  	s3 =	simm.s32 @!p0 $0x1082;
	s9 =	sld [smem:$0x3FB2]  }
0x2f: {  	lr =	sadd.s32 s0, s3;
	s0 =	sld [smem:$0x3FA9]  }
0x30: {  	s3 =	sld [smem:$0x3FAC]  }
0x31: {  	[smem:$0x3FB5] =	sst s10  }
0x32: {  	s10 =	sld [smem:$0x3FB3];
	_ =	sdelay $0x3  }
0x33: {  	p0 =	seq.s32 s10, $0x1;
	s10 =	sld [smem:$0x3FB5];
	_ =	sdelay $0x3  }
0x34: {  	[smem:$0x3FB5] =	sst s10  }
0x35: {  	s10 =	sld [smem:$0x3FB4];
	_ =	sdelay $0x3  }
0x36: {  	p1 =	seq.s32 s10, $0x1;
	s10 =	sld [smem:$0x3FB5];
	_ =	sdelay $0x3  }
0x37: {  	[smem:$0x3FB5] =	sst s10  }
0x38: {  	s10 =	sld [smem:$0x3FB6]  }
0x39: {  	_ = 	snop;
	(pc) =	sbr.ind lr, $3  }
0x3a: {  	_ = 	snop  }
0x3b: {  	_ = 	snop  }
0x3c: {  	p2 =	seq.s32 s10, $0x1;
	s10 =	sld [smem:$0x3FB5]  }
0x3d: {  	_ =	shalt  }
0x3e: {  	_ =	shalt  }
0x3f: {  	_ =	shalt  }
0x40: {  	_ =	shalt  }
0x41: {  	_ =	shalt  }
0x42: {  	_ =	shalt  }
0x43: {  	_ =	shalt  }
0x44: {  	_ =	shalt  }
0x45: {  	_ =	shalt  }
0x46: {  	_ =	shalt  }
0x47: {  	_ =	shalt  }
0x48: {  	_ =	shalt  }
0x49: {  	_ =	shalt  }
0x4a: {  	_ =	shalt  }
0x4b: {  	_ =	shalt  }
0x4c: {  	_ =	shalt  }
0x4d: {  	_ =	shalt  }
0x4e: {  	_ =	shalt  }
0x4f: {  	_ =	shalt  }
0x50: {  	_ =	shalt  }
0x51: {  	_ =	shalt  }
0x52: {  	_ =	shalt  }
0x53: {  	_ =	shalt  }
0x54: {  	_ =	shalt  }
0x55: {  	_ =	shalt  }
0x56: {  	_ =	shalt  }
0x57: {  	_ =	shalt  }
0x58: {  	_ =	shalt  }
0x59: {  	_ =	shalt  }
0x5a: {  	_ =	shalt  }
0x5b: {  	_ =	shalt  }
0x5c: {  	_ =	shalt  }
0x5d: {  	_ =	shalt  }
0x5e: {  	_ =	shalt  }
0x5f: {  	_ =	shalt  }
0x60: {  	_ =	shalt  }
0x61: {  	_ =	shalt  }
0x62: {  	_ =	shalt  }
0x63: {  	_ =	shalt  }
0x64: {  	_ =	shalt  }
0x65: {  	_ =	shalt  }
0x66: {  	_ =	shalt  }
0x67: {  	_ =	shalt  }
0x68: {  	_ =	shalt  }
0x69: {  	_ =	shalt  }
0x6a: {  	_ =	shalt  }
0x6b: {  	_ =	shalt  }
0x6c: {  	_ =	shalt  }
0x6d: {  	_ =	shalt  }
0x6e: {  	_ =	shalt  }
0x6f: {  	_ =	shalt  }
0x70: {  	_ =	shalt  }
0x71: {  	_ =	shalt  }
0x72: {  	_ =	shalt  }
0x73: {  	_ =	shalt  }
0x74: {  	_ =	shalt  }
0x75: {  	_ =	shalt  }
0x76: {  	_ =	shalt  }
0x77: {  	_ =	shalt  }
0x78: {  	_ =	shalt  }
0x79: {  	_ =	shalt  }
0x7a: {  	_ =	shalt  }
0x7b: {  	_ =	shalt  }
0x7c: {  	_ =	shalt  }
0x7d: {  	_ =	shalt  }
0x7e: {  	_ =	shalt  }
0x7f: {  	_ =	shalt  }
0x80: {  	_ =	shalt  }
0x81: {  	_ =	shalt  }
0x82: {  	_ =	shalt  }
0x83: {  	_ =	shalt  }
0x84: {  	_ =	shalt  }
0x85: {  	_ =	shalt  }
0x86: {  	_ =	shalt  }
0x87: {  	_ =	shalt  }
.Lfunc_end0:
.L_simem_size_0:
called_computation.1_lowered:
.L_overlay_start_0:
0x88: {  	s2 =	sld [smem:$0x3FD9]  }
0x89: {  	s3 =	sld [smem:$0x3FFE];
	_ =	sdelay $0x1  }
0x8a: {  	s1 =	srdreg.scid  }
0x8b: {  	s0 =	sand.u32 $0x1, s1  }
0x8c: {  	s17 =	sshll.u32 s0, $0xA;
	s2 =	sadd.s32 s3, s2  }
0x8d: {  	s2 =	sadd.s32 s2, s17  }
0x8e: {  	[smem:$0x3FC1] =	sst s2  }
0x8f: {  	_ = 	snop  }
0x90: {  	s2 =	sld [smem:$0x3FD0];
	(tm) =	ssettm $0x1  }
0x91: {  	s18 =	sld [smem:$0x3FFB];
	_ =	sdelay $0x3  }
0x92: {  	_ =	strace s18  }
0x93: {  	s3 =	sld [smem:$0x3FFC];
	_ =	sdelay $0x3  }
0x94: {  	_ =	strace s3  }
0x95: {  	s3 =	sld [smem:$0x3FFD];
	_ =	sdelay $0x3  }
0x96: {  	_ =	strace s3  }
0x97: {  	_ =	strace $0x8FFFFFFF  }
0x98: {  	s19 =	sld [smem:$0x3FDB];
	_ =	sdelay $0x1  }
0x99: {  	s4 =	simm.s32 $_scs_section_size  }
0x9a: {  	s5 =	simm.s32 $_size__tile_overlayer_lowered;
	s6 =	simm.s32 $_tile_overlayer_lowered  }
0x9b: {  	s22 =	simm.s32 $0x1BFF;
	s21 =	sshll.u32 s6, $0x1;
	s3 =	sadd.s32 s4, s19  }
0x9c: {  	s7 =	simm.s32 $0x0;
	s20 =	sshll.u32 s5, $0x1;
	s5 =	sadd.s32 s21, s3  }
0x9d: {  	[timem:s7], [sflag:s22] =	dma.local [hbm:s5], s20  }
0x9e: {  	_ =	swait.ge [sflag:s22], s20  }
0x9f: {  	s4 =	ssub.s32 $0x0, s20;
	[sflag:s22] =	ssyncset.done $0x0  }
0xa0: {  	[sflag:s22] =	ssyncadd.s32 s4;
	_ =	sdelay $0x1  }
0xa1: {  	s23 =	simm.s32 $0x1B8B  }
0xa2: {  	_ =	swait.ge [sflag:s23], $0x1  }
0xa3: {  	[sflag:s23] =	ssyncset.done $0x0  }
0xa4: {  	s25 =	simm.s32 $0x1B8E;
	s24 =	sld [smem:$0x3FFE];
	[sflag:s23] =	ssyncadd.s32 $0xFFFFFFFF  }
0xa5: {  	s26 =	simm.s32 $execute0_lowered;
	[smem:$0x3FD2] =	sst s25  }
0xa6: {  	s5 =	sshll.u32 s26, $0x1;
	_ =	strace $0x80000049;
	[dreg:$0x1] =	wrdreg $0xFFFFFFFF  }
0xa7: {  	s28 =	simm.s32 $_size_execute0_lowered;
	s3 =	sadd.s32 s3, s5;
	[dreg:$0x0] =	wrdreg $0x0  }
0xa8: {  	s5 =	sshll.u32 s28, $0x1;
	[dreg:$0x2] =	wrdreg s3  }
0xa9: {  	[dreg:$0x3] =	wrdreg s5  }
0xaa: {  	[dreg:$0x4] =	wrdreg $0xC0  }
0xab: {  	_ =	task [dreg:s7], $0x5FFFF  }
0xac: {  	[dreg:$0x1] =	wrdreg $0xFFFFFFFF  }
0xad: {  	[dreg:$0x0] =	wrdreg $0x60  }
0xae: {  	[dreg:$0x2] =	wrdreg s2  }
0xaf: {  	[dreg:$0x3] =	wrdreg s24  }
0xb0: {  	[dreg:$0x4] =	wrdreg $0xB8000  }
0xb1: {  	[dreg:$0x5] =	wrdreg $0x9  }
0xb2: {  	_ =	task.clear_ibuf [dreg:s7], $0x6FFFF;
	_ =	strace $0x90000049  }
0xb3: {  	s29 =	simm.s32 $0x9;
	_ =	strace $0x8000004B  }
0xb4: {  	_ =	swait.ge [sflag:s29], $0x1  }
0xb5: {  	[sflag:s29] =	ssyncadd.s32 $0xFFFFFFFF  }
0xb6: {  	_ =	strace $0x9000004B  }
0xb7: {  	_ =	sfence  }
0xb8: {  	s30 =	sld [smem:$0x0];
	_ =	sdelay $0x2  }
0xb9: {  	s31 =	sshll.u32 s1, $0xD;
	s1 =	sshrl.u32 s1, $0x2  }
0xba: {  	s3 =	sand.u32 $0x4000, s31;
	s1 =	sadd.s32 s1, s30  }
0xbb: {  	s0 =	sor.u32 s3, s0;
	s1 =	sshll.u32 s1, $0x11  }
0xbc: {  	s0 =	sor.u32 s1, s0  }
0xbd: {  	s0 =	sadd.s32 $0x8F2B, s0  }
0xbe: {  	[sflag:s0] =	ssyncadd.remote.s32 $0x1  }
0xbf: {  	_ =	sfence.sel $0xFFFF  }
0xc0: {  	[dreg:$0x0] =	wrdreg $0xFFFFFFFF;
	(pc) =	sbr.abs _section_cstart, $3  }
0xc1: {  	[dreg:$0x1] =	wrdreg $0xFFFFFFFF  }
0xc2: {  	_ =	task.clear_ibuf [dreg:s7], $0x2FFFF;
	_ =	strace $0x9FFFFFFF  }
0xc3: {  	(tm) =	ssettm $0x7FFFFFFF  }
tec
execute0_lowered:
.L_overlay_start_1:
0x0: {  	(tag) =	ssettag $0x1  }
0x1: {  	s10 =	rddreg [dreg:$0x0]  }
0x2: {  	s1 =	srdreg.scid;
	s6 =	rddreg [dreg:$0x1]  }
0x3: {  	s0 =	stileid.u32;
	s2 =	rddreg [dreg:$0x2]  }
0x4: {  	s3 =	simm.s32 $0x0;
	s15 =	simm.s32 $0x7800;
	s16 =	simm.s32 $0x2  }
0x5: {  	s17 =	simm.s32 $0x2800;
	s18 =	simm.s32 $0x5000;
	s19 =	simm.s32 $0x80  }
0x6: {  	s20 =	simm.s32 $0x1;
	s5 =	sand.u32 $0x1, s1;
	s8 =	smul.u32 $0x14000, s0  }
0x7: {  	s30 =	sshll.u32 s0, $0x1;
	[smem:$0x7FF] =	sst s3;
	s9 =	smul.u32 $0x50000, s0  }
0x8: {  	s4 =	sadd.s32 $0x15A00, s6;
	s1 =	sor.u32 s5, s30;
	s7 =	smul.u32 $0x140000, s5  }
0x9: {  	s5 =	ssub.s32 $0x2, s5;
	s11 =	smul.u32 $0x500, s1;
	s1 =	rddreg [dreg:$0x3]  }
0xa: {  	_ =	strace $0x8000004A;
	s31 =	sshrl.u32 s5, $0x1;
	s9 =	sshrl.u32 s9, $0x2  }
0xb: {  	s7 =	sadd.s32 s8, s7;
	s14 =	ssub.s32 s5, s31;
	s5 =	sadd.s32 s9, s2  }
0xc: {  	s12 =	sadd.s32 s11, s6;
	s7 =	sshrl.u32 s7, $0x3;
	s8 =	sadd.s32 $0xC000, s5  }
0xd: {  	s9 =	sadd.s32 $0x10000, s5;
	s10 =	sadd.s32 s10, s11;
	s14 =	smax.u32 s14, $0x1  }
0xe: {  	s13 =	sadd.s32 s7, s6;
	s6 =	sadd.s32 $0x4000, s5;
	s7 =	sadd.s32 $0x8000, s5  }
0xf: {  	v0 =	vimm.f32 $0.0e+00;
	s11 =	sadd.s32 $0xBA00, s12;
	s12 =	sadd.s32 $0x1A00, s12;
	s13 =	sadd.s32 $0x3DA00, s13  }
.LBB2_1:
0x10: {  	s21 =	simm.s32 $0x0;
	s22 =	simm.s32 $0x200  }
.LBB2_2:
0x11: {  	p0 =	sne.s32 s22, $0xFE00;
	[tilespmem:s21+$0x7870] =	vst v0  }
0x12: {  	[tilespmem:s21+$0x7800] =	vst v0  }
0x13: {  	[tilespmem:s21+$0x7810] =	vst v0  }
.Ltmp0:
0x14: {  	[tilespmem:s21+$0x7820] =	vst v0;
	(pc) =	sbr.rel @p0 .LBB2_2-.Ltmp0, $4  }
0x15: {  	[tilespmem:s21+$0x7830] =	vst v0  }
0x16: {  	[tilespmem:s21+$0x7840] =	vst v0  }
0x17: {  	[tilespmem:s21+$0x7850] =	vst v0  }
0x18: {  	[tilespmem:s21+$0x7860] =	vst v0;
	s21 =	sshra.s32 s22, $0x2;
	s22 =	sadd.s32 $0x200, s22  }
0x19: {  	[tilespmem:s21+$0x7870] =	vst v0  }
0x1a: {  	[tilespmem:s21+$0x7800] =	vst v0  }
0x1b: {  	[tilespmem:s21+$0x7810] =	vst v0  }
0x1c: {  	[tilespmem:s21+$0x7820] =	vst v0  }
0x1d: {  	[tilespmem:s21+$0x7830] =	vst v0  }
0x1e: {  	[tilespmem:s21+$0x7840] =	vst v0  }
0x1f: {  	[tilespmem:s21+$0x7850] =	vst v0  }
0x20: {  	[tilespmem:s21+$0x7860] =	vst v0  }
0x21: {  	[spmem:s5] =	stream.linear.scatter [tilespmem:s15], [sflag:$0x2], $0x4000, $0x38;
	[tilespmem:$0x1F800] =	vst v63  }
0x22: {  	_ =	swait.ge [sflag:s16], $0x4000  }
0x23: {  	[sflag:s16] =	ssyncset.done $0x0  }
0x24: {  	[sflag:s16] =	ssyncadd.s32 $0xFFFFC000  }
0x25: {  	[spmem:s6] =	stream.linear.scatter [tilespmem:s15], [sflag:$0x2], $0x4000, $0x38;
	[tilespmem:$0x1F800] =	vst v63  }
0x26: {  	_ =	swait.ge [sflag:s16], $0x4000  }
0x27: {  	[sflag:s16] =	ssyncset.done $0x0  }
0x28: {  	[sflag:s16] =	ssyncadd.s32 $0xFFFFC000  }
0x29: {  	[spmem:s7] =	stream.linear.scatter [tilespmem:s15], [sflag:$0x2], $0x4000, $0x38;
	[tilespmem:$0x1F800] =	vst v63  }
0x2a: {  	_ =	swait.ge [sflag:s16], $0x4000  }
0x2b: {  	[sflag:s16] =	ssyncset.done $0x0  }
0x2c: {  	[sflag:s16] =	ssyncadd.s32 $0xFFFFC000  }
0x2d: {  	[spmem:s8] =	stream.linear.scatter [tilespmem:s15], [sflag:$0x2], $0x4000, $0x38;
	[tilespmem:$0x1F800] =	vst v63  }
0x2e: {  	_ =	swait.ge [sflag:s16], $0x4000  }
0x2f: {  	[sflag:s16] =	ssyncset.done $0x0  }
0x30: {  	[sflag:s16] =	ssyncadd.s32 $0xFFFFC000  }
0x31: {  	[spmem:s9] =	stream.linear.scatter [tilespmem:s15], [sflag:$0x2], $0x4000, $0x38;
	[tilespmem:$0x1F800] =	vst v63  }
0x32: {  	_ =	swait.ge [sflag:s16], $0x4000  }
0x33: {  	[sflag:s16] =	ssyncset.done $0x0  }
0x34: {  	[sflag:s16] =	ssyncadd.s32 $0xFFFFC000  }
0x35: {  	s21 =	simm.s32 $0x0;
	[bflag:$0x0] =	sbarrier.arrive $0xFFFF  }
0x36: {  	[tilespmem:s21], [sflag:$0x2] =	stream.linear.gather [hbm4b:s10+s21], $0x2780, $0x38;
	[tilespmem:$0x1F800] =	vst v63  }
0x37: {  	_ =	swait.ge [sflag:s16], $0x2780  }
0x38: {  	[sflag:s16] =	ssyncset.done $0x0  }
0x39: {  	[sflag:s16] =	ssyncadd.s32 $0xFFFFD880  }
0x3a: {  	[tilespmem:s17], [sflag:$0x2] =	stream.linear.gather [hbm4b:s11+s21], $0x2780, $0x38;
	[tilespmem:$0x1F800] =	vst v63  }
0x3b: {  	_ =	swait.ge [sflag:s16], $0x2780  }
0x3c: {  	[sflag:s16] =	ssyncset.done $0x0  }
0x3d: {  	[sflag:s16] =	ssyncadd.s32 $0xFFFFD880  }
0x3e: {  	[tilespmem:s18], [sflag:$0x2] =	stream.linear.gather [hbm4b:s12+s21], $0x2780, $0x38;
	[tilespmem:$0x1F800] =	vst v63  }
0x3f: {  	_ =	swait.ge [sflag:s16], $0x2780  }
0x40: {  	[sflag:s16] =	ssyncset.done $0x0  }
0x41: {  	s22 =	simm.s32 $0x0;
	[sflag:s16] =	ssyncadd.s32 $0xFFFFD880  }
.LBB2_4:
0x42: {  	s23 =	sshll.u32 s22, $0x7;
	v2 =	vmov s21  }
0x43: {  	v1 =	vmov s23;
	v2 =	vand.u32 $0x7F, v2  }
0x44: {  	[tilespmem:s15], [sflag:$0x1] =	stream.indirect.gather [hbm4b:s4+s19], $0x80, s23, s19, $0xb8;
	v2 =	vadd.s32 v1, v2;
	[tilespmem:$0x1F800] =	vst v63  }
0x45: {  	_ =	swait.ge [sflag:s20], $0x4000;
	v2 =	vbroadcast v2, $0x0  }
0x46: {  	[sflag:s20] =	ssyncset.done $0x0  }
0x47: {  	s24 =	simm.s32 $0x7840;
	[sflag:s20] =	ssyncadd.s32 $0xFFFFC000  }
0x48: {  	v6 =	vld [tilespmem:s24+$0x30]  }
0x49: {  	v9 =	vld [tilespmem:s24+$0x10]  }
0x4a: {  	v7 =	vld [tilespmem:s24+$0xFFFFFFC0]  }
0x4b: {  	v3 =	vld.idx.msk [tilespmem:v2+s18+$0x0], $0xffff  }
0x4c: {  	v12 =	vld [tilespmem:s24+$0xFFFFFFE0]  }
0x4d: {  	v4 =	vld [tilespmem:s24+$0x20]  }
0x4e: {  	v5 =	vld [tilespmem:s24+$0xFFFFFFD0]  }
0x4f: {  	v2 =	vld [tilespmem:s24+$0xFFFFFFF0]  }
0x50: {  	v10 =	vmul.f32 v6, v3;
	v6 =	vld [tilespmem:s24+$0x0]  }
0x51: {  	s25 =	simm.s32 $0x1;
	v8 =	vmul.f32 v7, v3  }
0x52: {  	s26 =	simm.s32 $0x2;
	v11 =	vmov s25;
	s25 =	simm.s32 $0x7840;
	v7 =	vmul.f32 v12, v3;
	v9 =	vmul.f32 v9, v3  }
.LBB2_5:
0x53: {  	p0 =	sne.s32 s26, $0x7F  }
0x54: {  	v11 =	vand.u32 $0x7F, v11;
	v5 =	vmul.f32 v5, v3;
	v4 =	vmul.f32 v4, v3;
	[tilespmem:s24+$0x30] =	vst v10;
	s25 =	sadd.s32 $0x80, s25;
	s28 =	smov.u32 s26;
	s26 =	sadd.s32 $0x1, s26  }
0x55: {  	v10 =	vadd.s32 v1, v11;
	[tilespmem:s24+$0xFFFFFFC0] =	vst v8;
	v8 =	vmul.f32 v2, v3;
	v3 =	vmul.f32 v6, v3  }
0x56: {  	v6 =	vbroadcast v10, $0x0;
	[tilespmem:s24+$0x10] =	vst v9  }
0x57: {  	[tilespmem:s24+$0xFFFFFFE0] =	vst v7  }
0x58: {  	v2 =	vld [tilespmem:s25+$0xFFFFFFF0];
	[tilespmem:s24+$0xFFFFFFF0] =	vst v8  }
0x59: {  	v7 =	vld [tilespmem:s25+$0x30];
	[tilespmem:s24+$0x0] =	vst v3  }
0x5a: {  	v9 =	vld [tilespmem:s25+$0x10];
	[tilespmem:s24+$0x20] =	vst v4  }
0x5b: {  	v8 =	vld [tilespmem:s25+$0xFFFFFFC0];
	[tilespmem:s24+$0xFFFFFFD0] =	vst v5;
	s24 =	smov.u32 s25  }
0x5c: {  	v3 =	vld.idx.msk [tilespmem:v6+s18+$0x0], $0xffff  }
0x5d: {  	v12 =	vld [tilespmem:s25+$0xFFFFFFE0]  }
0x5e: {  	v4 =	vld [tilespmem:s25+$0x20]  }
.Ltmp1:
0x5f: {  	v5 =	vld [tilespmem:s25+$0xFFFFFFD0];
	(pc) =	sbr.rel @p0 .LBB2_5-.Ltmp1, $3  }
0x60: {  	v6 =	vld [tilespmem:s25+$0x0];
	_ =	sdelay $0x1  }
0x61: {  	v8 =	vmul.f32 v8, v3;
	v10 =	vmul.f32 v7, v3  }
0x62: {  	v11 =	vmov s28;
	v9 =	vmul.f32 v9, v3;
	v7 =	vmul.f32 v12, v3  }
0x63: {  	[tilespmem:s24+$0x30] =	vst v10;
	v58 =	vand.u32 $0x7F, v11  }
0x64: {  	[tilespmem:s24+$0xFFFFFFC0] =	vst v8;
	v1 =	vadd.s32 v1, v58  }
0x65: {  	v2 =	vmul.f32 v2, v3;
	[tilespmem:s24+$0x10] =	vst v9;
	v1 =	vbroadcast v1, $0x0  }
0x66: {  	s25 =	sadd.s32 $0x80, s25;
	[tilespmem:s24+$0xFFFFFFE0] =	vst v7;
	v6 =	vmul.f32 v6, v3  }
0x67: {  	v4 =	vmul.f32 v4, v3;
	v3 =	vmul.f32 v5, v3;
	v7 =	vld [tilespmem:s25+$0xFFFFFFF0];
	[tilespmem:s24+$0xFFFFFFF0] =	vst v2  }
0x68: {  	v2 =	vld [tilespmem:s25+$0x30];
	[tilespmem:s24+$0x0] =	vst v6  }
0x69: {  	v60 =	vld [tilespmem:s25+$0xFFFFFFC0];
	[tilespmem:s24+$0xFFFFFFD0] =	vst v3  }
0x6a: {  	v59 =	vld [tilespmem:s25+$0x10];
	[tilespmem:s24+$0x20] =	vst v4  }
0x6b: {  	v1 =	vld.idx.msk [tilespmem:v1+s18+$0x0], $0xffff;
	_ =	sdelay $0x2  }
0x6c: {  	v6 =	vld [tilespmem:s25+$0x0]  }
0x6d: {  	v3 =	vld [tilespmem:s25+$0xFFFFFFE0]  }
0x6e: {  	v2 =	vmul.f32 v2, v1  }
0x6f: {  	v61 =	vld [tilespmem:s25+$0x20];
	v4 =	vmul.f32 v60, v1  }
0x70: {  	v62 =	vld [tilespmem:s25+$0xFFFFFFD0];
	v5 =	vmul.f32 v59, v1;
	[tilespmem:s25+$0x30] =	vst v2  }
0x71: {  	v63 =	vmul.f32 v6, v1;
	[tilespmem:s25+$0xFFFFFFC0] =	vst v4  }
0x72: {  	v2 =	vmul.f32 v3, v1;
	[tilespmem:s25+$0x10] =	vst v5  }
0x73: {  	v3 =	vmul.f32 v7, v1;
	[tilespmem:s25+$0x0] =	vst v63  }
0x74: {  	[tilespmem:s25+$0xFFFFFFE0] =	vst v2;
	v2 =	vmul.f32 v61, v1  }
0x75: {  	s22 =	sadd.s32 $0x1, s22;
	[tilespmem:s25+$0xFFFFFFF0] =	vst v3;
	v1 =	vmul.f32 v62, v1  }
0x76: {  	p0 =	sne.s32 s22, $0x4F;
	[tilespmem:s25+$0x20] =	vst v2  }
.Ltmp2:
0x77: {  	s23 =	sadd.s32 $0x2800, s23;
	[tilespmem:s25+$0xFFFFFFD0] =	vst v1;
	(pc) =	sbr.rel @p0 .LBB2_4-.Ltmp2, $4  }
0x78: {  	[spmem:s2] =	stream.indirect.scatter.add.f32 [tilespmem:s15], [sflag:$0x2], $0x80, s23, s19, $0xb8;
	[tilespmem:$0x1F800] =	vst v63  }
0x79: {  	_ =	swait.ge [sflag:s16], $0x4000  }
0x7a: {  	[sflag:s16] =	ssyncset.done $0x0  }
0x7b: {  	[sflag:s16] =	ssyncadd.s32 $0xFFFFC000  }
0x7c: {  	s3 =	sadd.s32 $0x1, s3  }
0x7d: {  	s21 =	sshll.u32 s0, $0x6;
	[bflag:$0x0] =	sbarrier.arrive $0xFFFF;
	p0 =	sne.s32 s3, s14  }
.Ltmp3:
0x7e: {  	s22 =	sshrl.u32 s5, $0x3;
	s21 =	sor.u32 $0x1C02, s21;
	(pc) =	sbr.rel @p0 .LBB2_1-.Ltmp3, $4  }
0x7f: {  	[hbm:s13], [sflag:s21] =	dma.local [spmem:s22], $0x2800  }
0x80: {  	_ =	swait.ge [sflag:s16], $0x2800  }
0x81: {  	[sflag:s16] =	ssyncset.done $0x0  }
0x82: {  	[sflag:s16] =	ssyncadd.s32 $0xFFFFD800  }
0x83: {  	_ =	sfence.sel $0x180000  }
0x84: {  	[bflag:$0x0] =	sbarrier.arrive $0xFFFF  }
0x85: {  	p0 =	sne.s32 s0, $0x0;
	_ =	strace $0x9000004A  }
0x86: {  	s0 =	sadd.s32 @!p0 $0x100000, s1;
	[bflag:$0x2] =	sbarrier.arrive $0xFFFF  }
0x87: {  	[sflag:s0] =	ssyncadd.tile.s32 @!p0 $0x1;
	_ =	shalt  }
.Lfunc_end2:
_tile_overlayer_lowered:
.L_overlay_start_2:
0x88: {  	(tag) =	ssettag $0x2  }
0x89: {  	s0 =	rddreg [dreg:$0x0];
	s2 =	stileid.u32  }
0x8a: {  	s1 =	rddreg [dreg:$0x1];
	p0 =	sne.s32 s2, $0x0  }
0x8b: {  	s3 =	rddreg [dreg:$0x2];
	[bflag:$0x3] =	sbarrier.arrive $0xFFFF;
	s2 =	simm.s32 @!p0 $0x1C02  }
0x8c: {  	[timem:s3], [sflag:s2] =	dma.local @!p0 [hbm:s0], s1  }
0x8d: {  	s0 =	simm.s32 @!p0 $0x2  }
0x8e: {  	_ =	swait.ge @!p0 [sflag:s0], s1  }
0x8f: {  	s1 =	ssub.s32 @!p0 $0x0, s1;
	[sflag:s0] =	ssyncset.done @!p0 $0x0  }
0x90: {  	[sflag:s0] =	ssyncadd.s32 @!p0 s1  }
0x91: {  	[bflag:$0x3] =	sbarrier.arrive $0xFFFF  }
0x92: {  	_ =	shalt  }

// kernel: kernel.7.cloned.1.call-start
scs
__scs_entry_jumppad:
0x0: {  	(pc) =	sbr.rel $0x88, $3  }
0x1: {  	(tag) =	ssettag $0x0;
	lr =	simm.s32 $0x1  }
0x2: {  	[smem:$0x3F9A] =	sst lr;
	_ =	strace $0xD0000000  }
0x3: {  	_ = 	snop  }
0x4: {  	_ = 	snop  }
0x5: {  	_ = 	snop  }
0x6: {  	_ = 	snop  }
0x7: {  	_ = 	snop  }
__scs_overlays_trampoline_lowered:
0x8: {  	[smem:$0x3FA9] =	sst s0  }
0x9: {  	[smem:$0x3FAA] =	sst s1  }
0xa: {  	[smem:$0x3FAB] =	sst s2  }
0xb: {  	[smem:$0x3FAC] =	sst s3  }
0xc: {  	[smem:$0x3FAD] =	sst s4  }
0xd: {  	[smem:$0x3FAE] =	sst s5  }
0xe: {  	[smem:$0x3FAF] =	sst s6  }
0xf: {  	[smem:$0x3FB0] =	sst s7  }
0x10: {  	[smem:$0x3FB1] =	sst s8  }
0x11: {  	[smem:$0x3FB2] =	sst s9;
	s0 =	simm.s32 @!p0 $0x0  }
0x12: {  	s1 =	sld [smem:$0x3F98];
	s0 =	simm.s32 @p0 $0x1  }
0x13: {  	[smem:$0x3FB3] =	sst s0;
	s0 =	simm.s32 @!p1 $0x0  }
0x14: {  	s2 =	sld [smem:$0x3F97];
	s0 =	simm.s32 @p1 $0x1  }
0x15: {  	[smem:$0x3FB4] =	sst s0;
	s0 =	simm.s32 @!p2 $0x0  }
0x16: {  	s3 =	sld [smem:$0x3FDB];
	s0 =	simm.s32 @p2 $0x1  }
0x17: {  	s4 =	simm.s32 $0x1BF5;
	[smem:$0x3FB6] =	sst s0  }
0x18: {  	s0 =	sld [smem:$0x3F99];
	_ =	swait.ge [sflag:s4], $0x0  }
0x19: {  	s7 =	sld [smem:$0x3F9A]  }
0x1a: {  	s8 =	sadd.s32 $0xFFFFE003, lr  }
0x1b: {  	s9 =	sadd.s32 $0xFFFFFEF7, lr;
	s5 =	simm.s32 $0xFFFFFFFF;
	p2 =	slt.u32 s8, $0xFFFFF086  }
0x1c: {  	p1 =	slt.u32 s9, $0xF7A;
	s5 =	simm.s32 @!p2 $0x0  }
0x1d: {  	s5 =	simm.s32 @p1 $0x1;
	p0 =	seq.s32 s7, s2  }
0x1e: {  	s7 =	smul.u32 @!p0 $0xF7A, s2;
	p2 =	seq.s32 @!p0 s5, $0x0  }
0x1f: {  	s9 =	smul.u32 $0xF7A, s1;
	s8 =	simm.s32 @!p0 $0x1BF5;
	p2 =	por !p2, p0  }
0x20: {  	[sflag:s8] =	ssyncset.s32 @!p0 $0xFFFFF086;
	s6 =	sadd.s32 @!p0 s3, s7;
	s7 =	simm.s32 @!p0 $0x108  }
0x21: {  	s3 =	sadd.s32 s3, s9;
	s6 =	sadd.s32 @!p0 $0x88, s6;
	s7 =	simm.s32 @p2 $0x1082  }
0x22: {  	[simem:s7], [sflag:s8] =	dma.local @!p0 [hbm:s6], $0xF7A  }
0x23: {  	s9 =	sor.u32 $0xD0000000, s2;
	s6 =	simm.s32 $0x108;
	_ =	swait.ge @!p0 [sflag:s8], $0x0  }
0x24: {  	s3 =	sadd.s32 $0x88, s3;
	s6 =	simm.s32 @!p1 $0x1082;
	[sflag:s4] =	ssyncset.s32 $0xFFFFF086  }
0x25: {  	[simem:s6], [sflag:s4] =	dma.local [hbm:s3], $0xF7A  }
0x26: {  	[smem:$0x3F9A] =	sst s1;
	(tag) =	ssettag s2;
	_ =	strace s9  }
0x27: {  	s1 =	sld [smem:$0x3FAA]  }
0x28: {  	s2 =	sld [smem:$0x3FAB]  }
0x29: {  	s4 =	sld [smem:$0x3FAD]  }
0x2a: {  	p0 =	seq.s32 s5, $0x0;
	s5 =	sld [smem:$0x3FAE]  }
0x2b: {  	s6 =	sld [smem:$0x3FAF]  }
0x2c: {  	s7 =	sld [smem:$0x3FB0]  }
0x2d: {  	s3 =	simm.s32 $0x108;
	s8 =	sld [smem:$0x3FB1]  }
0x2e: {  	s3 =	simm.s32 @!p0 $0x1082;
	s9 =	sld [smem:$0x3FB2]  }
0x2f: {  	lr =	sadd.s32 s0, s3;
	s0 =	sld [smem:$0x3FA9]  }
0x30: {  	s3 =	sld [smem:$0x3FAC]  }
0x31: {  	[smem:$0x3FB5] =	sst s10  }
0x32: {  	s10 =	sld [smem:$0x3FB3];
	_ =	sdelay $0x3  }
0x33: {  	p0 =	seq.s32 s10, $0x1;
	s10 =	sld [smem:$0x3FB5];
	_ =	sdelay $0x3  }
0x34: {  	[smem:$0x3FB5] =	sst s10  }
0x35: {  	s10 =	sld [smem:$0x3FB4];
	_ =	sdelay $0x3  }
0x36: {  	p1 =	seq.s32 s10, $0x1;
	s10 =	sld [smem:$0x3FB5];
	_ =	sdelay $0x3  }
0x37: {  	[smem:$0x3FB5] =	sst s10  }
0x38: {  	s10 =	sld [smem:$0x3FB6]  }
0x39: {  	_ = 	snop;
	(pc) =	sbr.ind lr, $3  }
0x3a: {  	_ = 	snop  }
0x3b: {  	_ = 	snop  }
0x3c: {  	p2 =	seq.s32 s10, $0x1;
	s10 =	sld [smem:$0x3FB5]  }
0x3d: {  	_ =	shalt  }
0x3e: {  	_ =	shalt  }
0x3f: {  	_ =	shalt  }
0x40: {  	_ =	shalt  }
0x41: {  	_ =	shalt  }
0x42: {  	_ =	shalt  }
0x43: {  	_ =	shalt  }
0x44: {  	_ =	shalt  }
0x45: {  	_ =	shalt  }
0x46: {  	_ =	shalt  }
0x47: {  	_ =	shalt  }
0x48: {  	_ =	shalt  }
0x49: {  	_ =	shalt  }
0x4a: {  	_ =	shalt  }
0x4b: {  	_ =	shalt  }
0x4c: {  	_ =	shalt  }
0x4d: {  	_ =	shalt  }
0x4e: {  	_ =	shalt  }
0x4f: {  	_ =	shalt  }
0x50: {  	_ =	shalt  }
0x51: {  	_ =	shalt  }
0x52: {  	_ =	shalt  }
0x53: {  	_ =	shalt  }
0x54: {  	_ =	shalt  }
0x55: {  	_ =	shalt  }
0x56: {  	_ =	shalt  }
0x57: {  	_ =	shalt  }
0x58: {  	_ =	shalt  }
0x59: {  	_ =	shalt  }
0x5a: {  	_ =	shalt  }
0x5b: {  	_ =	shalt  }
0x5c: {  	_ =	shalt  }
0x5d: {  	_ =	shalt  }
0x5e: {  	_ =	shalt  }
0x5f: {  	_ =	shalt  }
0x60: {  	_ =	shalt  }
0x61: {  	_ =	shalt  }
0x62: {  	_ =	shalt  }
0x63: {  	_ =	shalt  }
0x64: {  	_ =	shalt  }
0x65: {  	_ =	shalt  }
0x66: {  	_ =	shalt  }
0x67: {  	_ =	shalt  }
0x68: {  	_ =	shalt  }
0x69: {  	_ =	shalt  }
0x6a: {  	_ =	shalt  }
0x6b: {  	_ =	shalt  }
0x6c: {  	_ =	shalt  }
0x6d: {  	_ =	shalt  }
0x6e: {  	_ =	shalt  }
0x6f: {  	_ =	shalt  }
0x70: {  	_ =	shalt  }
0x71: {  	_ =	shalt  }
0x72: {  	_ =	shalt  }
0x73: {  	_ =	shalt  }
0x74: {  	_ =	shalt  }
0x75: {  	_ =	shalt  }
0x76: {  	_ =	shalt  }
0x77: {  	_ =	shalt  }
0x78: {  	_ =	shalt  }
0x79: {  	_ =	shalt  }
0x7a: {  	_ =	shalt  }
0x7b: {  	_ =	shalt  }
0x7c: {  	_ =	shalt  }
0x7d: {  	_ =	shalt  }
0x7e: {  	_ =	shalt  }
0x7f: {  	_ =	shalt  }
0x80: {  	_ =	shalt  }
0x81: {  	_ =	shalt  }
0x82: {  	_ =	shalt  }
0x83: {  	_ =	shalt  }
0x84: {  	_ =	shalt  }
0x85: {  	_ =	shalt  }
0x86: {  	_ =	shalt  }
0x87: {  	_ =	shalt  }
.Lfunc_end0:
.L_simem_size_0:
called_computation_lowered:
.L_overlay_start_0:
0x88: {  	s2 =	sld [smem:$0x3FD9]  }
0x89: {  	s3 =	sld [smem:$0x3FFE];
	_ =	sdelay $0x1  }
0x8a: {  	s1 =	srdreg.scid  }
0x8b: {  	s0 =	sand.u32 $0x1, s1  }
0x8c: {  	s17 =	sshll.u32 s0, $0xA;
	s2 =	sadd.s32 s3, s2  }
0x8d: {  	s2 =	sadd.s32 s2, s17  }
0x8e: {  	[smem:$0x3FC1] =	sst s2  }
0x8f: {  	_ = 	snop  }
0x90: {  	s2 =	sld [smem:$0x3FD0];
	(tm) =	ssettm $0x1  }
0x91: {  	s18 =	sld [smem:$0x3FFB];
	_ =	sdelay $0x3  }
0x92: {  	_ =	strace s18  }
0x93: {  	s3 =	sld [smem:$0x3FFC];
	_ =	sdelay $0x3  }
0x94: {  	_ =	strace s3  }
0x95: {  	s3 =	sld [smem:$0x3FFD];
	_ =	sdelay $0x3  }
0x96: {  	_ =	strace s3  }
0x97: {  	_ =	strace $0x8FFFFFFF  }
0x98: {  	s19 =	sld [smem:$0x3FDB];
	_ =	sdelay $0x1  }
0x99: {  	s4 =	simm.s32 $_scs_section_size  }
0x9a: {  	s5 =	simm.s32 $_size__tile_overlayer_lowered;
	s6 =	simm.s32 $_tile_overlayer_lowered  }
0x9b: {  	s22 =	simm.s32 $0x1BFF;
	s21 =	sshll.u32 s6, $0x1;
	s3 =	sadd.s32 s4, s19  }
0x9c: {  	s7 =	simm.s32 $0x0;
	s20 =	sshll.u32 s5, $0x1;
	s5 =	sadd.s32 s21, s3  }
0x9d: {  	[timem:s7], [sflag:s22] =	dma.local [hbm:s5], s20  }
0x9e: {  	_ =	swait.ge [sflag:s22], s20  }
0x9f: {  	s4 =	ssub.s32 $0x0, s20;
	[sflag:s22] =	ssyncset.done $0x0  }
0xa0: {  	[sflag:s22] =	ssyncadd.s32 s4;
	_ =	sdelay $0x1  }
0xa1: {  	s23 =	simm.s32 $0x1B8B  }
0xa2: {  	_ =	swait.ge [sflag:s23], $0x1  }
0xa3: {  	[sflag:s23] =	ssyncset.done $0x0  }
0xa4: {  	s25 =	simm.s32 $0x1B8E;
	s24 =	sld [smem:$0x3FFE];
	[sflag:s23] =	ssyncadd.s32 $0xFFFFFFFF  }
0xa5: {  	s26 =	simm.s32 $execute0_lowered;
	[smem:$0x3FD2] =	sst s25  }
0xa6: {  	s5 =	sshll.u32 s26, $0x1;
	_ =	strace $0x80000046;
	[dreg:$0x1] =	wrdreg $0xFFFFFFFF  }
0xa7: {  	s28 =	simm.s32 $_size_execute0_lowered;
	s3 =	sadd.s32 s3, s5;
	[dreg:$0x0] =	wrdreg $0x0  }
0xa8: {  	s5 =	sshll.u32 s28, $0x1;
	[dreg:$0x2] =	wrdreg s3  }
0xa9: {  	[dreg:$0x3] =	wrdreg s5  }
0xaa: {  	[dreg:$0x4] =	wrdreg $0xC0  }
0xab: {  	_ =	task [dreg:s7], $0x5FFFF  }
0xac: {  	[dreg:$0x1] =	wrdreg $0xFFFFFFFF  }
0xad: {  	[dreg:$0x0] =	wrdreg $0x60  }
0xae: {  	[dreg:$0x2] =	wrdreg s2  }
0xaf: {  	[dreg:$0x3] =	wrdreg s24  }
0xb0: {  	[dreg:$0x4] =	wrdreg $0xB8000  }
0xb1: {  	[dreg:$0x5] =	wrdreg $0x9  }
0xb2: {  	_ =	task.clear_ibuf [dreg:s7], $0x6FFFF;
	_ =	strace $0x90000046  }
0xb3: {  	s29 =	simm.s32 $0x9;
	_ =	strace $0x80000048  }
0xb4: {  	_ =	swait.ge [sflag:s29], $0x1  }
0xb5: {  	[sflag:s29] =	ssyncadd.s32 $0xFFFFFFFF  }
0xb6: {  	_ =	strace $0x90000048  }
0xb7: {  	_ =	sfence  }
0xb8: {  	s30 =	sld [smem:$0x0];
	_ =	sdelay $0x2  }
0xb9: {  	s31 =	sshll.u32 s1, $0xD;
	s1 =	sshrl.u32 s1, $0x2  }
0xba: {  	s3 =	sand.u32 $0x4000, s31;
	s1 =	sadd.s32 s1, s30  }
0xbb: {  	s0 =	sor.u32 s3, s0;
	s1 =	sshll.u32 s1, $0x11  }
0xbc: {  	s0 =	sor.u32 s1, s0  }
0xbd: {  	s0 =	sadd.s32 $0x8F2B, s0  }
0xbe: {  	[sflag:s0] =	ssyncadd.remote.s32 $0x1  }
0xbf: {  	_ =	sfence.sel $0xFFFF  }
0xc0: {  	[dreg:$0x0] =	wrdreg $0xFFFFFFFF;
	(pc) =	sbr.abs _section_cstart, $3  }
0xc1: {  	[dreg:$0x1] =	wrdreg $0xFFFFFFFF  }
0xc2: {  	_ =	task.clear_ibuf [dreg:s7], $0x2FFFF;
	_ =	strace $0x9FFFFFFF  }
0xc3: {  	(tm) =	ssettm $0x7FFFFFFF  }
tec
execute0_lowered:
.L_overlay_start_1:
0x0: {  	(tag) =	ssettag $0x1  }
0x1: {  	s10 =	rddreg [dreg:$0x0]  }
0x2: {  	s1 =	srdreg.scid;
	s6 =	rddreg [dreg:$0x1]  }
0x3: {  	s0 =	stileid.u32;
	s2 =	rddreg [dreg:$0x2]  }
0x4: {  	s3 =	simm.s32 $0x0;
	s15 =	simm.s32 $0x7800;
	s16 =	simm.s32 $0x2  }
0x5: {  	s17 =	simm.s32 $0x2800;
	s18 =	simm.s32 $0x5000;
	s19 =	simm.s32 $0x80  }
0x6: {  	s20 =	simm.s32 $0x1;
	s5 =	sand.u32 $0x1, s1;
	s8 =	smul.u32 $0x14000, s0  }
0x7: {  	s30 =	sshll.u32 s0, $0x1;
	[smem:$0x7FF] =	sst s3;
	s9 =	smul.u32 $0x50000, s0  }
0x8: {  	s4 =	sadd.s32 $0x15A00, s6;
	s1 =	sor.u32 s5, s30;
	s7 =	smul.u32 $0x140000, s5  }
0x9: {  	s5 =	ssub.s32 $0x2, s5;
	s11 =	smul.u32 $0x500, s1;
	s1 =	rddreg [dreg:$0x3]  }
0xa: {  	_ =	strace $0x80000047;
	s31 =	sshrl.u32 s5, $0x1;
	s9 =	sshrl.u32 s9, $0x2  }
0xb: {  	s7 =	sadd.s32 s8, s7;
	s14 =	ssub.s32 s5, s31;
	s5 =	sadd.s32 s9, s2  }
0xc: {  	s12 =	sadd.s32 s11, s6;
	s7 =	sshrl.u32 s7, $0x3;
	s8 =	sadd.s32 $0xC000, s5  }
0xd: {  	s9 =	sadd.s32 $0x10000, s5;
	s10 =	sadd.s32 s10, s11;
	s14 =	smax.u32 s14, $0x1  }
0xe: {  	s13 =	sadd.s32 s7, s6;
	s6 =	sadd.s32 $0x4000, s5;
	s7 =	sadd.s32 $0x8000, s5  }
0xf: {  	v0 =	vimm.f32 $0.0e+00;
	s11 =	sadd.s32 $0xBA00, s12;
	s12 =	sadd.s32 $0x1A00, s12;
	s13 =	sadd.s32 $0x3DA00, s13  }
.LBB2_1:
0x10: {  	s21 =	simm.s32 $0x0;
	s22 =	simm.s32 $0x200  }
.LBB2_2:
0x11: {  	p0 =	sne.s32 s22, $0xFE00;
	[tilespmem:s21+$0x7870] =	vst v0  }
0x12: {  	[tilespmem:s21+$0x7800] =	vst v0  }
0x13: {  	[tilespmem:s21+$0x7810] =	vst v0  }
.Ltmp0:
0x14: {  	[tilespmem:s21+$0x7820] =	vst v0;
	(pc) =	sbr.rel @p0 .LBB2_2-.Ltmp0, $4  }
0x15: {  	[tilespmem:s21+$0x7830] =	vst v0  }
0x16: {  	[tilespmem:s21+$0x7840] =	vst v0  }
0x17: {  	[tilespmem:s21+$0x7850] =	vst v0  }
0x18: {  	[tilespmem:s21+$0x7860] =	vst v0;
	s21 =	sshra.s32 s22, $0x2;
	s22 =	sadd.s32 $0x200, s22  }
0x19: {  	[tilespmem:s21+$0x7870] =	vst v0  }
0x1a: {  	[tilespmem:s21+$0x7800] =	vst v0  }
0x1b: {  	[tilespmem:s21+$0x7810] =	vst v0  }
0x1c: {  	[tilespmem:s21+$0x7820] =	vst v0  }
0x1d: {  	[tilespmem:s21+$0x7830] =	vst v0  }
0x1e: {  	[tilespmem:s21+$0x7840] =	vst v0  }
0x1f: {  	[tilespmem:s21+$0x7850] =	vst v0  }
0x20: {  	[tilespmem:s21+$0x7860] =	vst v0  }
0x21: {  	[spmem:s5] =	stream.linear.scatter [tilespmem:s15], [sflag:$0x2], $0x4000, $0x38;
	[tilespmem:$0x1F800] =	vst v63  }
0x22: {  	_ =	swait.ge [sflag:s16], $0x4000  }
0x23: {  	[sflag:s16] =	ssyncset.done $0x0  }
0x24: {  	[sflag:s16] =	ssyncadd.s32 $0xFFFFC000  }
0x25: {  	[spmem:s6] =	stream.linear.scatter [tilespmem:s15], [sflag:$0x2], $0x4000, $0x38;
	[tilespmem:$0x1F800] =	vst v63  }
0x26: {  	_ =	swait.ge [sflag:s16], $0x4000  }
0x27: {  	[sflag:s16] =	ssyncset.done $0x0  }
0x28: {  	[sflag:s16] =	ssyncadd.s32 $0xFFFFC000  }
0x29: {  	[spmem:s7] =	stream.linear.scatter [tilespmem:s15], [sflag:$0x2], $0x4000, $0x38;
	[tilespmem:$0x1F800] =	vst v63  }
0x2a: {  	_ =	swait.ge [sflag:s16], $0x4000  }
0x2b: {  	[sflag:s16] =	ssyncset.done $0x0  }
0x2c: {  	[sflag:s16] =	ssyncadd.s32 $0xFFFFC000  }
0x2d: {  	[spmem:s8] =	stream.linear.scatter [tilespmem:s15], [sflag:$0x2], $0x4000, $0x38;
	[tilespmem:$0x1F800] =	vst v63  }
0x2e: {  	_ =	swait.ge [sflag:s16], $0x4000  }
0x2f: {  	[sflag:s16] =	ssyncset.done $0x0  }
0x30: {  	[sflag:s16] =	ssyncadd.s32 $0xFFFFC000  }
0x31: {  	[spmem:s9] =	stream.linear.scatter [tilespmem:s15], [sflag:$0x2], $0x4000, $0x38;
	[tilespmem:$0x1F800] =	vst v63  }
0x32: {  	_ =	swait.ge [sflag:s16], $0x4000  }
0x33: {  	[sflag:s16] =	ssyncset.done $0x0  }
0x34: {  	[sflag:s16] =	ssyncadd.s32 $0xFFFFC000  }
0x35: {  	s21 =	simm.s32 $0x0;
	[bflag:$0x0] =	sbarrier.arrive $0xFFFF  }
0x36: {  	[tilespmem:s21], [sflag:$0x2] =	stream.linear.gather [hbm4b:s10+s21], $0x2780, $0x38;
	[tilespmem:$0x1F800] =	vst v63  }
0x37: {  	_ =	swait.ge [sflag:s16], $0x2780  }
0x38: {  	[sflag:s16] =	ssyncset.done $0x0  }
0x39: {  	[sflag:s16] =	ssyncadd.s32 $0xFFFFD880  }
0x3a: {  	[tilespmem:s17], [sflag:$0x2] =	stream.linear.gather [hbm4b:s11+s21], $0x2780, $0x38;
	[tilespmem:$0x1F800] =	vst v63  }
0x3b: {  	_ =	swait.ge [sflag:s16], $0x2780  }
0x3c: {  	[sflag:s16] =	ssyncset.done $0x0  }
0x3d: {  	[sflag:s16] =	ssyncadd.s32 $0xFFFFD880  }
0x3e: {  	[tilespmem:s18], [sflag:$0x2] =	stream.linear.gather [hbm4b:s12+s21], $0x2780, $0x38;
	[tilespmem:$0x1F800] =	vst v63  }
0x3f: {  	_ =	swait.ge [sflag:s16], $0x2780  }
0x40: {  	[sflag:s16] =	ssyncset.done $0x0  }
0x41: {  	s22 =	simm.s32 $0x0;
	[sflag:s16] =	ssyncadd.s32 $0xFFFFD880  }
.LBB2_4:
0x42: {  	s23 =	sshll.u32 s22, $0x7;
	v2 =	vmov s21  }
0x43: {  	v1 =	vmov s23;
	v2 =	vand.u32 $0x7F, v2  }
0x44: {  	[tilespmem:s15], [sflag:$0x1] =	stream.indirect.gather [hbm4b:s4+s19], $0x80, s23, s19, $0xb8;
	v2 =	vadd.s32 v1, v2;
	[tilespmem:$0x1F800] =	vst v63  }
0x45: {  	_ =	swait.ge [sflag:s20], $0x4000;
	v2 =	vbroadcast v2, $0x0  }
0x46: {  	[sflag:s20] =	ssyncset.done $0x0  }
0x47: {  	s24 =	simm.s32 $0x7840;
	[sflag:s20] =	ssyncadd.s32 $0xFFFFC000  }
0x48: {  	v6 =	vld [tilespmem:s24+$0x30]  }
0x49: {  	v9 =	vld [tilespmem:s24+$0x10]  }
0x4a: {  	v7 =	vld [tilespmem:s24+$0xFFFFFFC0]  }
0x4b: {  	v3 =	vld.idx.msk [tilespmem:v2+s18+$0x0], $0xffff  }
0x4c: {  	v12 =	vld [tilespmem:s24+$0xFFFFFFE0]  }
0x4d: {  	v4 =	vld [tilespmem:s24+$0x20]  }
0x4e: {  	v5 =	vld [tilespmem:s24+$0xFFFFFFD0]  }
0x4f: {  	v2 =	vld [tilespmem:s24+$0xFFFFFFF0]  }
0x50: {  	v10 =	vmul.f32 v6, v3;
	v6 =	vld [tilespmem:s24+$0x0]  }
0x51: {  	s25 =	simm.s32 $0x1;
	v8 =	vmul.f32 v7, v3  }
0x52: {  	s26 =	simm.s32 $0x2;
	v11 =	vmov s25;
	s25 =	simm.s32 $0x7840;
	v7 =	vmul.f32 v12, v3;
	v9 =	vmul.f32 v9, v3  }
.LBB2_5:
0x53: {  	p0 =	sne.s32 s26, $0x7F  }
0x54: {  	v11 =	vand.u32 $0x7F, v11;
	v5 =	vmul.f32 v5, v3;
	v4 =	vmul.f32 v4, v3;
	[tilespmem:s24+$0x30] =	vst v10;
	s25 =	sadd.s32 $0x80, s25;
	s28 =	smov.u32 s26;
	s26 =	sadd.s32 $0x1, s26  }
0x55: {  	v10 =	vadd.s32 v1, v11;
	[tilespmem:s24+$0xFFFFFFC0] =	vst v8;
	v8 =	vmul.f32 v2, v3;
	v3 =	vmul.f32 v6, v3  }
0x56: {  	v6 =	vbroadcast v10, $0x0;
	[tilespmem:s24+$0x10] =	vst v9  }
0x57: {  	[tilespmem:s24+$0xFFFFFFE0] =	vst v7  }
0x58: {  	v2 =	vld [tilespmem:s25+$0xFFFFFFF0];
	[tilespmem:s24+$0xFFFFFFF0] =	vst v8  }
0x59: {  	v7 =	vld [tilespmem:s25+$0x30];
	[tilespmem:s24+$0x0] =	vst v3  }
0x5a: {  	v9 =	vld [tilespmem:s25+$0x10];
	[tilespmem:s24+$0x20] =	vst v4  }
0x5b: {  	v8 =	vld [tilespmem:s25+$0xFFFFFFC0];
	[tilespmem:s24+$0xFFFFFFD0] =	vst v5;
	s24 =	smov.u32 s25  }
0x5c: {  	v3 =	vld.idx.msk [tilespmem:v6+s18+$0x0], $0xffff  }
0x5d: {  	v12 =	vld [tilespmem:s25+$0xFFFFFFE0]  }
0x5e: {  	v4 =	vld [tilespmem:s25+$0x20]  }
.Ltmp1:
0x5f: {  	v5 =	vld [tilespmem:s25+$0xFFFFFFD0];
	(pc) =	sbr.rel @p0 .LBB2_5-.Ltmp1, $3  }
0x60: {  	v6 =	vld [tilespmem:s25+$0x0];
	_ =	sdelay $0x1  }
0x61: {  	v8 =	vmul.f32 v8, v3;
	v10 =	vmul.f32 v7, v3  }
0x62: {  	v11 =	vmov s28;
	v9 =	vmul.f32 v9, v3;
	v7 =	vmul.f32 v12, v3  }
0x63: {  	[tilespmem:s24+$0x30] =	vst v10;
	v58 =	vand.u32 $0x7F, v11  }
0x64: {  	[tilespmem:s24+$0xFFFFFFC0] =	vst v8;
	v1 =	vadd.s32 v1, v58  }
0x65: {  	v2 =	vmul.f32 v2, v3;
	[tilespmem:s24+$0x10] =	vst v9;
	v1 =	vbroadcast v1, $0x0  }
0x66: {  	s25 =	sadd.s32 $0x80, s25;
	[tilespmem:s24+$0xFFFFFFE0] =	vst v7;
	v6 =	vmul.f32 v6, v3  }
0x67: {  	v4 =	vmul.f32 v4, v3;
	v3 =	vmul.f32 v5, v3;
	v7 =	vld [tilespmem:s25+$0xFFFFFFF0];
	[tilespmem:s24+$0xFFFFFFF0] =	vst v2  }
0x68: {  	v2 =	vld [tilespmem:s25+$0x30];
	[tilespmem:s24+$0x0] =	vst v6  }
0x69: {  	v60 =	vld [tilespmem:s25+$0xFFFFFFC0];
	[tilespmem:s24+$0xFFFFFFD0] =	vst v3  }
0x6a: {  	v59 =	vld [tilespmem:s25+$0x10];
	[tilespmem:s24+$0x20] =	vst v4  }
0x6b: {  	v1 =	vld.idx.msk [tilespmem:v1+s18+$0x0], $0xffff;
	_ =	sdelay $0x2  }
0x6c: {  	v6 =	vld [tilespmem:s25+$0x0]  }
0x6d: {  	v3 =	vld [tilespmem:s25+$0xFFFFFFE0]  }
0x6e: {  	v2 =	vmul.f32 v2, v1  }
0x6f: {  	v61 =	vld [tilespmem:s25+$0x20];
	v4 =	vmul.f32 v60, v1  }
0x70: {  	v62 =	vld [tilespmem:s25+$0xFFFFFFD0];
	v5 =	vmul.f32 v59, v1;
	[tilespmem:s25+$0x30] =	vst v2  }
0x71: {  	v63 =	vmul.f32 v6, v1;
	[tilespmem:s25+$0xFFFFFFC0] =	vst v4  }
0x72: {  	v2 =	vmul.f32 v3, v1;
	[tilespmem:s25+$0x10] =	vst v5  }
0x73: {  	v3 =	vmul.f32 v7, v1;
	[tilespmem:s25+$0x0] =	vst v63  }
0x74: {  	[tilespmem:s25+$0xFFFFFFE0] =	vst v2;
	v2 =	vmul.f32 v61, v1  }
0x75: {  	s22 =	sadd.s32 $0x1, s22;
	[tilespmem:s25+$0xFFFFFFF0] =	vst v3;
	v1 =	vmul.f32 v62, v1  }
0x76: {  	p0 =	sne.s32 s22, $0x4F;
	[tilespmem:s25+$0x20] =	vst v2  }
.Ltmp2:
0x77: {  	s23 =	sadd.s32 $0x2800, s23;
	[tilespmem:s25+$0xFFFFFFD0] =	vst v1;
	(pc) =	sbr.rel @p0 .LBB2_4-.Ltmp2, $4  }
0x78: {  	[spmem:s2] =	stream.indirect.scatter.add.f32 [tilespmem:s15], [sflag:$0x2], $0x80, s23, s19, $0xb8;
	[tilespmem:$0x1F800] =	vst v63  }
0x79: {  	_ =	swait.ge [sflag:s16], $0x4000  }
0x7a: {  	[sflag:s16] =	ssyncset.done $0x0  }
0x7b: {  	[sflag:s16] =	ssyncadd.s32 $0xFFFFC000  }
0x7c: {  	s3 =	sadd.s32 $0x1, s3  }
0x7d: {  	s21 =	sshll.u32 s0, $0x6;
	[bflag:$0x0] =	sbarrier.arrive $0xFFFF;
	p0 =	sne.s32 s3, s14  }
.Ltmp3:
0x7e: {  	s22 =	sshrl.u32 s5, $0x3;
	s21 =	sor.u32 $0x1C02, s21;
	(pc) =	sbr.rel @p0 .LBB2_1-.Ltmp3, $4  }
0x7f: {  	[hbm:s13], [sflag:s21] =	dma.local [spmem:s22], $0x2800  }
0x80: {  	_ =	swait.ge [sflag:s16], $0x2800  }
0x81: {  	[sflag:s16] =	ssyncset.done $0x0  }
0x82: {  	[sflag:s16] =	ssyncadd.s32 $0xFFFFD800  }
0x83: {  	_ =	sfence.sel $0x180000  }
0x84: {  	[bflag:$0x0] =	sbarrier.arrive $0xFFFF  }
0x85: {  	p0 =	sne.s32 s0, $0x0;
	_ =	strace $0x90000047  }
0x86: {  	s0 =	sadd.s32 @!p0 $0x100000, s1;
	[bflag:$0x2] =	sbarrier.arrive $0xFFFF  }
0x87: {  	[sflag:s0] =	ssyncadd.tile.s32 @!p0 $0x1;
	_ =	shalt  }
.Lfunc_end2:
_tile_overlayer_lowered:
.L_overlay_start_2:
0x88: {  	(tag) =	ssettag $0x2  }
0x89: {  	s0 =	rddreg [dreg:$0x0];
	s2 =	stileid.u32  }
0x8a: {  	s1 =	rddreg [dreg:$0x1];
	p0 =	sne.s32 s2, $0x0  }
0x8b: {  	s3 =	rddreg [dreg:$0x2];
	[bflag:$0x3] =	sbarrier.arrive $0xFFFF;
	s2 =	simm.s32 @!p0 $0x1C02  }
0x8c: {  	[timem:s3], [sflag:s2] =	dma.local @!p0 [hbm:s0], s1  }
0x8d: {  	s0 =	simm.s32 @!p0 $0x2  }
0x8e: {  	_ =	swait.ge @!p0 [sflag:s0], s1  }
0x8f: {  	s1 =	ssub.s32 @!p0 $0x0, s1;
	[sflag:s0] =	ssyncset.done @!p0 $0x0  }
0x90: {  	[sflag:s0] =	ssyncadd.s32 @!p0 s1  }
0x91: {  	[bflag:$0x3] =	sbarrier.arrive $0xFFFF  }
0x92: {  	_ =	shalt  }

</sc_bundles>
